<compile_context>
chip_gen: v7x
topology: tpu7x:2x2x1
jax: 0.10.2.dev20260603
libtpu: 0.0.44.dev20260713+nightly
codegen_flags: <defaults>
</compile_context>

<pallas_src>
import functools

import jax
import jax.numpy as jnp
from jax import lax
from jax.experimental import pallas as pl
from jax.experimental.pallas import tpu as pltpu
from jax.experimental.pallas import tpu_sc as plsc

NC = 2
NS = 16
NW = NC * NS

WORD_DIM = 100
WORD_PAD = 104
LABEL_DIM = 32
PACK_DIM = WORD_PAD + LABEL_DIM

CHUNK = 128


@functools.partial(jax.jit, static_argnames=("n_rows",))
def _embed_concat(word_table_pad, label_table, word_ids, label_ids, *, n_rows):
    rows_per_w = n_rows // NW
    n_chunks = rows_per_w // CHUNK
    mesh = plsc.VectorSubcoreMesh(
        core_axis_name="c", subcore_axis_name="s", num_cores=NC, num_subcores=NS
    )

    @functools.partial(
        pl.kernel,
        out_type=jax.ShapeDtypeStruct((n_rows, PACK_DIM), jnp.float32),
        mesh=mesh,
        compiler_params=pltpu.CompilerParams(
            use_tc_tiling_on_sc=False, needs_layout_passes=False
        ),
        scratch_types=[
            pltpu.VMEM((CHUNK,), jnp.int32),
            pltpu.VMEM((CHUNK,), jnp.int32),
            pltpu.VMEM((CHUNK, WORD_PAD), jnp.float32),
            pltpu.VMEM((CHUNK, LABEL_DIM), jnp.float32),
            pltpu.VMEM((CHUNK,), jnp.int32),
            pltpu.VMEM((CHUNK,), jnp.int32),
            pltpu.VMEM((CHUNK, WORD_PAD), jnp.float32),
            pltpu.VMEM((CHUNK, LABEL_DIM), jnp.float32),
            pltpu.SemaphoreType.DMA,
            pltpu.SemaphoreType.DMA,
            pltpu.SemaphoreType.DMA,
            pltpu.SemaphoreType.DMA,
        ],
    )
    def body(
        wtab, ltab, wids, lids, out,
        widx0, lidx0, wrows0, lrows0,
        widx1, lidx1, wrows1, lrows1,
        s0, s1, s2, s3,
    ):
        wid = lax.axis_index("s") * NC + lax.axis_index("c")
        base0 = wid * rows_per_w
        bufs = ((widx0, lidx0, wrows0, lrows0, s0, s1),
                (widx1, lidx1, wrows1, lrows1, s2, s3))

        def stage(k, bf):
            widx, lidx = bf[0], bf[1]
            base = base0 + k * CHUNK
            pltpu.sync_copy(wids.at[pl.ds(base, CHUNK)], widx)
            pltpu.sync_copy(lids.at[pl.ds(base, CHUNK)], lidx)

        def fire(bf):
            widx, lidx, wrows, lrows, sa, sb = bf
            pltpu.async_copy(wtab.at[widx], wrows, sa)
            pltpu.async_copy(ltab.at[lidx], lrows, sb)

        def wait(bf):
            widx, lidx, wrows, lrows, sa, sb = bf
            pltpu.make_async_copy(wtab.at[widx], wrows, sa).wait()
            pltpu.make_async_copy(ltab.at[lidx], lrows, sb).wait()

        def writeback(k, bf):
            wrows, lrows = bf[2], bf[3]
            base = base0 + k * CHUNK
            pltpu.sync_copy(wrows, out.at[pl.ds(base, CHUNK), pl.ds(0, WORD_PAD)])
            pltpu.sync_copy(
                lrows, out.at[pl.ds(base, CHUNK), pl.ds(WORD_PAD, LABEL_DIM)]
            )

        n_pairs = n_chunks // 2
        stage(0, bufs[0])
        fire(bufs[0])

        def step(j, carry):
            k0 = 2 * j
            stage(k0 + 1, bufs[1])
            fire(bufs[1])
            wait(bufs[0])
            writeback(k0, bufs[0])

            @pl.when(j < n_pairs - 1)
            def _():
                stage(k0 + 2, bufs[0])
                fire(bufs[0])

            wait(bufs[1])
            writeback(k0 + 1, bufs[1])
            return carry

        lax.fori_loop(0, n_pairs, step, 0)

    return body(word_table_pad, label_table, word_ids, label_ids)


_PAD_BLOCK = 4096


def _pad_body(x_ref, o_ref):
    o_ref[...] = jnp.concatenate(
        [x_ref[...], jnp.zeros((x_ref.shape[0], WORD_PAD - WORD_DIM), jnp.float32)],
        axis=1,
    )


def _pad_tc(word_table):
    v = word_table.shape[0]
    grid = (v + _PAD_BLOCK - 1) // _PAD_BLOCK
    return pl.pallas_call(
        _pad_body,
        grid=(grid,),
        in_specs=[pl.BlockSpec((_PAD_BLOCK, WORD_DIM), lambda i: (i, 0))],
        out_specs=pl.BlockSpec((_PAD_BLOCK, WORD_PAD), lambda i: (i, 0)),
        out_shape=jax.ShapeDtypeStruct((v, WORD_PAD), jnp.float32),
    )(word_table)


_STRIP_BLOCK = 2048


def _strip_body(x_ref, o_ref):
    x = x_ref[...]
    o_ref[...] = jnp.concatenate([x[:, :WORD_DIM], x[:, WORD_PAD:]], axis=1)


def _strip_tc(packed):
    n = packed.shape[0]
    grid = n // _STRIP_BLOCK
    return pl.pallas_call(
        _strip_body,
        grid=(grid,),
        in_specs=[pl.BlockSpec((_STRIP_BLOCK, PACK_DIM), lambda i: (i, 0))],
        out_specs=pl.BlockSpec((_STRIP_BLOCK, WORD_DIM + LABEL_DIM), lambda i: (i, 0)),
        out_shape=jax.ShapeDtypeStruct((n, WORD_DIM + LABEL_DIM), jnp.float32),
    )(packed)


def kernel(inputs, word_table, label_table):
    b, l, _ = inputs.shape
    ids = inputs.reshape(b * l, 2)
    word_ids = ids[:, 0]
    label_ids = ids[:, 1]
    wt_pad = _pad_tc(word_table)
    packed = _embed_concat(wt_pad, label_table, word_ids, label_ids, n_rows=b * l)
    out = _strip_tc(packed)
    return out.reshape(b, l, WORD_DIM + LABEL_DIM)

# --- scband reference (transcript-rebuilt; emitter-appended) ---
"""Pipeline reference for scband-glo-ve-embedding-layer-62251255988283 (READ-ONLY COPY).

The authoritative reference and input builder live on the scoring server;
editing this copy changes nothing except your own understanding.
"""

import jax, jax.numpy as jnp
import numpy as np

WORD_VOCAB = 400001  # GloVe 6B 400k words + UNK
WORD_DIM = 100       # EMBEDDING_DIM in original module
LABEL_VOCAB = 400001
LABEL_DIM = 32


def setup_inputs(seed: int = 0) -> dict:
    key = jax.random.key(seed)
    k_idx, k_word, k_label = jax.random.split(key, 3)
    inputs = jax.random.randint(k_idx, (4096, 200, 2), 0, WORD_VOCAB, dtype=jnp.int32)
    # frozen GloVe word embedding table (stand-in random values)
    word_table = jax.random.normal(k_word, (WORD_VOCAB, WORD_DIM), dtype=jnp.float32)
    # trainable TE-label embedding table
    label_table = jax.random.normal(k_label, (LABEL_VOCAB, LABEL_DIM), dtype=jnp.float32) * 0.05
    return {"inputs": inputs, "word_table": word_table, "label_table": label_table}


def reference(inputs, word_table, label_table):
    # inputs: int[B, L, 2]; channel 0 = word ids, channel 1 = TE label ids
    word_ids = inputs[:, :, 0]
    te_label_ids = inputs[:, :, 1]
    embedded_words = jnp.take(word_table, word_ids, axis=0)      # [B, L, 100]
    embedded_labels = jnp.take(label_table, te_label_ids, axis=0)  # [B, L, 32]
    # TE_label_set != 'none' -> concat branch
    return jnp.concatenate([embedded_words, embedded_labels], axis=2)  # [B, L, 132]

if __name__ == "__main__":
    import jax
    _d = setup_inputs()
    print(jax.jit(kernel)(*tuple(_d.values())))

</pallas_src>

<mosaic_0001>
#map = affine_map<(d0, d1) -> (0, 0)>
#map1 = affine_map<(d0, d1) -> (0)>
module attributes {stable_mosaic.version = 14 : i64} {
  func.func @body(%arg0: i32, %arg1: i32, %arg2: memref<400001x104xf32, #tpu.memory_space<hbm>>, %arg3: memref<400001x32xf32, #tpu.memory_space<hbm>>, %arg4: memref<819200xi32, #tpu.memory_space<hbm>>, %arg5: memref<819200xi32, #tpu.memory_space<hbm>>, %arg6: memref<819200x136xf32, #tpu.memory_space<hbm>>, %arg7: memref<128xi32, #tpu.memory_space<vmem>>, %arg8: memref<128xi32, #tpu.memory_space<vmem>>, %arg9: memref<128x104xf32, #tpu.memory_space<vmem>>, %arg10: memref<128x32xf32, #tpu.memory_space<vmem>>, %arg11: memref<128xi32, #tpu.memory_space<vmem>>, %arg12: memref<128xi32, #tpu.memory_space<vmem>>, %arg13: memref<128x104xf32, #tpu.memory_space<vmem>>, %arg14: memref<128x32xf32, #tpu.memory_space<vmem>>, %arg15: memref<!tpu.dma_semaphore, #tpu.memory_space<semaphore_mem>>, %arg16: memref<!tpu.dma_semaphore, #tpu.memory_space<semaphore_mem>>, %arg17: memref<!tpu.dma_semaphore, #tpu.memory_space<semaphore_mem>>, %arg18: memref<!tpu.dma_semaphore, #tpu.memory_space<semaphore_mem>>) attributes {dimension_semantics = [#tpu.dimension_semantics<core_parallel>, #tpu.dimension_semantics<subcore_parallel>], iteration_bounds = array<i64: 2, 16>, scalar_prefetch = 0 : i64, scratch_operands = 12 : i64, tpu.core_type = #tpu.core_type<sc_vector_subcore>, window_params = [{transform_indices = #map}, {transform_indices = #map}, {transform_indices = #map1}, {transform_indices = #map1}, {transform_indices = #map}]} {
    %mul3A = arith.constant 2 : i32
    %mul3A_0 = arith.muli %arg1, %mul3A : i32
    %add3A = arith.addi %mul3A_0, %arg0 : i32
    %mul3A_1 = arith.constant 25600 : i32
    %mul3A_2 = arith.muli %add3A, %mul3A_1 : i32
    %add3A_3 = arith.constant 0 : i32
    %add3A_4 = arith.addi %mul3A_2, %add3A_3 : i32
    "tpu.region"() ({
      %run_scoped3A = tpu.sem_alloc : memref<!tpu.dma_semaphore, #tpu.memory_space<semaphore_mem>>
      %dma_start3A_15 = tpu.memref_slice %arg4[%add3A_4] : memref<819200xi32, #tpu.memory_space<hbm>> -> memref<128xi32, #tpu.memory_space<hbm>>
      %dma_start3A_16 = tpu.memref_slice %arg4[%add3A_4] : memref<819200xi32, #tpu.memory_space<hbm>> -> memref<128xi32, #tpu.memory_space<hbm>>
      tpu.enqueue_dma source(%dma_start3A_16 : memref<128xi32, #tpu.memory_space<hbm>>) target(%arg7 : memref<128xi32, #tpu.memory_space<vmem>>) target_semaphore(%run_scoped3A : memref<!tpu.dma_semaphore, #tpu.memory_space<semaphore_mem>>)
      %dma_wait3A = tpu.memref_slice %arg4[%add3A_4] : memref<819200xi32, #tpu.memory_space<hbm>> -> memref<128xi32, #tpu.memory_space<hbm>>
      %dma_wait3A_17 = tpu.memref_slice %arg4[%add3A_4] : memref<819200xi32, #tpu.memory_space<hbm>> -> memref<128xi32, #tpu.memory_space<hbm>>
      tpu.wait_dma2 semaphore(%run_scoped3A : memref<!tpu.dma_semaphore, #tpu.memory_space<semaphore_mem>>) src(%dma_wait3A_17 : memref<128xi32, #tpu.memory_space<hbm>>) dst(%arg7 : memref<128xi32, #tpu.memory_space<vmem>>)
      tpu.yield
    }) : () -> ()
    "tpu.region"() ({
      %run_scoped3A = tpu.sem_alloc : memref<!tpu.dma_semaphore, #tpu.memory_space<semaphore_mem>>
      %dma_start3A_15 = tpu.memref_slice %arg5[%add3A_4] : memref<819200xi32, #tpu.memory_space<hbm>> -> memref<128xi32, #tpu.memory_space<hbm>>
      %dma_start3A_16 = tpu.memref_slice %arg5[%add3A_4] : memref<819200xi32, #tpu.memory_space<hbm>> -> memref<128xi32, #tpu.memory_space<hbm>>
      tpu.enqueue_dma source(%dma_start3A_16 : memref<128xi32, #tpu.memory_space<hbm>>) target(%arg8 : memref<128xi32, #tpu.memory_space<vmem>>) target_semaphore(%run_scoped3A : memref<!tpu.dma_semaphore, #tpu.memory_space<semaphore_mem>>)
      %dma_wait3A = tpu.memref_slice %arg5[%add3A_4] : memref<819200xi32, #tpu.memory_space<hbm>> -> memref<128xi32, #tpu.memory_space<hbm>>
      %dma_wait3A_17 = tpu.memref_slice %arg5[%add3A_4] : memref<819200xi32, #tpu.memory_space<hbm>> -> memref<128xi32, #tpu.memory_space<hbm>>
      tpu.wait_dma2 semaphore(%run_scoped3A : memref<!tpu.dma_semaphore, #tpu.memory_space<semaphore_mem>>) src(%dma_wait3A_17 : memref<128xi32, #tpu.memory_space<hbm>>) dst(%arg8 : memref<128xi32, #tpu.memory_space<vmem>>)
      tpu.yield
    }) : () -> ()
    %dma_start3A = arith.constant 0 : i32
    %dma_start3A_5 = arith.constant 0 : i32
    %dma_start3A_6 = tpu.memref_slice %arg2[%dma_start3A, %dma_start3A_5] : memref<400001x104xf32, #tpu.memory_space<hbm>> -> memref<400001x104xf32, #tpu.memory_space<hbm>>
    tpu.enqueue_indirect_dma source(%dma_start3A_6 : memref<400001x104xf32, #tpu.memory_space<hbm>>) target(%arg9 : memref<128x104xf32, #tpu.memory_space<vmem>>) offsets(%arg7 : memref<128xi32, #tpu.memory_space<vmem>>) semaphore(%arg15 : memref<!tpu.dma_semaphore, #tpu.memory_space<semaphore_mem>>)
    %dma_start3A_7 = arith.constant 0 : i32
    %dma_start3A_8 = arith.constant 0 : i32
    %dma_start3A_9 = tpu.memref_slice %arg3[%dma_start3A_7, %dma_start3A_8] : memref<400001x32xf32, #tpu.memory_space<hbm>> -> memref<400001x32xf32, #tpu.memory_space<hbm>>
    tpu.enqueue_indirect_dma source(%dma_start3A_9 : memref<400001x32xf32, #tpu.memory_space<hbm>>) target(%arg10 : memref<128x32xf32, #tpu.memory_space<vmem>>) offsets(%arg8 : memref<128xi32, #tpu.memory_space<vmem>>) semaphore(%arg16 : memref<!tpu.dma_semaphore, #tpu.memory_space<semaphore_mem>>)
    %scan3A = arith.constant 0 : i32
    %scan3A_10 = arith.constant 0 : i32
    %scan3A_11 = arith.constant 100 : i32
    %scan3A_12 = arith.addi %scan3A_10, %scan3A_11 : i32
    %scan3A_13 = arith.constant 1 : i32
    scf.for %scan3A_15 = %scan3A_10 to %scan3A_12 step %scan3A_13  : i32 {
      %mul3A_16 = arith.constant 2 : i32
      %mul3A_17 = arith.muli %mul3A_16, %scan3A_15 : i32
      %add3A_18 = arith.constant 1 : i32
      %add3A_19 = arith.addi %mul3A_17, %add3A_18 : i32
      %mul3A_20 = arith.constant 128 : i32
      %mul3A_21 = arith.muli %add3A_19, %mul3A_20 : i32
      %add3A_22 = arith.addi %mul3A_2, %mul3A_21 : i32
      "tpu.region"() ({
        %run_scoped3A = tpu.sem_alloc : memref<!tpu.dma_semaphore, #tpu.memory_space<semaphore_mem>>
        %dma_start3A_50 = tpu.memref_slice %arg4[%add3A_22] : memref<819200xi32, #tpu.memory_space<hbm>> -> memref<128xi32, #tpu.memory_space<hbm>>
        %dma_start3A_51 = tpu.memref_slice %arg4[%add3A_22] : memref<819200xi32, #tpu.memory_space<hbm>> -> memref<128xi32, #tpu.memory_space<hbm>>
        tpu.enqueue_dma source(%dma_start3A_51 : memref<128xi32, #tpu.memory_space<hbm>>) target(%arg11 : memref<128xi32, #tpu.memory_space<vmem>>) target_semaphore(%run_scoped3A : memref<!tpu.dma_semaphore, #tpu.memory_space<semaphore_mem>>)
        %dma_wait3A_52 = tpu.memref_slice %arg4[%add3A_22] : memref<819200xi32, #tpu.memory_space<hbm>> -> memref<128xi32, #tpu.memory_space<hbm>>
        %dma_wait3A_53 = tpu.memref_slice %arg4[%add3A_22] : memref<819200xi32, #tpu.memory_space<hbm>> -> memref<128xi32, #tpu.memory_space<hbm>>
        tpu.wait_dma2 semaphore(%run_scoped3A : memref<!tpu.dma_semaphore, #tpu.memory_space<semaphore_mem>>) src(%dma_wait3A_53 : memref<128xi32, #tpu.memory_space<hbm>>) dst(%arg11 : memref<128xi32, #tpu.memory_space<vmem>>)
        tpu.yield
      }) : () -> ()
      "tpu.region"() ({
        %run_scoped3A = tpu.sem_alloc : memref<!tpu.dma_semaphore, #tpu.memory_space<semaphore_mem>>
        %dma_start3A_50 = tpu.memref_slice %arg5[%add3A_22] : memref<819200xi32, #tpu.memory_space<hbm>> -> memref<128xi32, #tpu.memory_space<hbm>>
        %dma_start3A_51 = tpu.memref_slice %arg5[%add3A_22] : memref<819200xi32, #tpu.memory_space<hbm>> -> memref<128xi32, #tpu.memory_space<hbm>>
        tpu.enqueue_dma source(%dma_start3A_51 : memref<128xi32, #tpu.memory_space<hbm>>) target(%arg12 : memref<128xi32, #tpu.memory_space<vmem>>) target_semaphore(%run_scoped3A : memref<!tpu.dma_semaphore, #tpu.memory_space<semaphore_mem>>)
        %dma_wait3A_52 = tpu.memref_slice %arg5[%add3A_22] : memref<819200xi32, #tpu.memory_space<hbm>> -> memref<128xi32, #tpu.memory_space<hbm>>
        %dma_wait3A_53 = tpu.memref_slice %arg5[%add3A_22] : memref<819200xi32, #tpu.memory_space<hbm>> -> memref<128xi32, #tpu.memory_space<hbm>>
        tpu.wait_dma2 semaphore(%run_scoped3A : memref<!tpu.dma_semaphore, #tpu.memory_space<semaphore_mem>>) src(%dma_wait3A_53 : memref<128xi32, #tpu.memory_space<hbm>>) dst(%arg12 : memref<128xi32, #tpu.memory_space<vmem>>)
        tpu.yield
      }) : () -> ()
      %dma_start3A_23 = arith.constant 0 : i32
      %dma_start3A_24 = arith.constant 0 : i32
      %dma_start3A_25 = tpu.memref_slice %arg2[%dma_start3A_23, %dma_start3A_24] : memref<400001x104xf32, #tpu.memory_space<hbm>> -> memref<400001x104xf32, #tpu.memory_space<hbm>>
      tpu.enqueue_indirect_dma source(%dma_start3A_25 : memref<400001x104xf32, #tpu.memory_space<hbm>>) target(%arg13 : memref<128x104xf32, #tpu.memory_space<vmem>>) offsets(%arg11 : memref<128xi32, #tpu.memory_space<vmem>>) semaphore(%arg17 : memref<!tpu.dma_semaphore, #tpu.memory_space<semaphore_mem>>)
      %dma_start3A_26 = arith.constant 0 : i32
      %dma_start3A_27 = arith.constant 0 : i32
      %dma_start3A_28 = tpu.memref_slice %arg3[%dma_start3A_26, %dma_start3A_27] : memref<400001x32xf32, #tpu.memory_space<hbm>> -> memref<400001x32xf32, #tpu.memory_space<hbm>>
      tpu.enqueue_indirect_dma source(%dma_start3A_28 : memref<400001x32xf32, #tpu.memory_space<hbm>>) target(%arg14 : memref<128x32xf32, #tpu.memory_space<vmem>>) offsets(%arg12 : memref<128xi32, #tpu.memory_space<vmem>>) semaphore(%arg18 : memref<!tpu.dma_semaphore, #tpu.memory_space<semaphore_mem>>)
      %dma_wait3A = arith.constant 0 : i32
      %dma_wait3A_29 = arith.constant 0 : i32
      %dma_wait3A_30 = tpu.memref_slice %arg2[%dma_wait3A, %dma_wait3A_29] : memref<400001x104xf32, #tpu.memory_space<hbm>> -> memref<400001x104xf32, #tpu.memory_space<hbm>>
      tpu.wait_indirect_dma semaphore(%arg15 : memref<!tpu.dma_semaphore, #tpu.memory_space<semaphore_mem>>) src(%dma_wait3A_30 : memref<400001x104xf32, #tpu.memory_space<hbm>>) dst(%arg9 : memref<128x104xf32, #tpu.memory_space<vmem>>)
      %dma_wait3A_31 = arith.constant 0 : i32
      %dma_wait3A_32 = arith.constant 0 : i32
      %dma_wait3A_33 = tpu.memref_slice %arg3[%dma_wait3A_31, %dma_wait3A_32] : memref<400001x32xf32, #tpu.memory_space<hbm>> -> memref<400001x32xf32, #tpu.memory_space<hbm>>
      tpu.wait_indirect_dma semaphore(%arg16 : memref<!tpu.dma_semaphore, #tpu.memory_space<semaphore_mem>>) src(%dma_wait3A_33 : memref<400001x32xf32, #tpu.memory_space<hbm>>) dst(%arg10 : memref<128x32xf32, #tpu.memory_space<vmem>>)
      %mul3A_34 = arith.constant 128 : i32
      %mul3A_35 = arith.muli %mul3A_17, %mul3A_34 : i32
      %add3A_36 = arith.addi %mul3A_2, %mul3A_35 : i32
      "tpu.region"() ({
        %run_scoped3A = tpu.sem_alloc : memref<!tpu.dma_semaphore, #tpu.memory_space<semaphore_mem>>
        %dma_start3A_50 = arith.constant 0 : i32
        %dma_start3A_51 = tpu.memref_slice %arg6[%add3A_36, %dma_start3A_50] : memref<819200x136xf32, #tpu.memory_space<hbm>> -> memref<128x104xf32, #tpu.memory_space<hbm>>
        %dma_start3A_52 = arith.constant 0 : i32
        %dma_start3A_53 = tpu.memref_slice %arg6[%add3A_36, %dma_start3A_52] : memref<819200x136xf32, #tpu.memory_space<hbm>> -> memref<128x104xf32, #tpu.memory_space<hbm>>
        tpu.enqueue_dma source(%arg9 : memref<128x104xf32, #tpu.memory_space<vmem>>) target(%dma_start3A_53 : memref<128x104xf32, #tpu.memory_space<hbm>>) target_semaphore(%run_scoped3A : memref<!tpu.dma_semaphore, #tpu.memory_space<semaphore_mem>>)
        %dma_wait3A_54 = arith.constant 0 : i32
        %dma_wait3A_55 = tpu.memref_slice %arg6[%add3A_36, %dma_wait3A_54] : memref<819200x136xf32, #tpu.memory_space<hbm>> -> memref<128x104xf32, #tpu.memory_space<hbm>>
        %dma_wait3A_56 = arith.constant 0 : i32
        %dma_wait3A_57 = tpu.memref_slice %arg6[%add3A_36, %dma_wait3A_56] : memref<819200x136xf32, #tpu.memory_space<hbm>> -> memref<128x104xf32, #tpu.memory_space<hbm>>
        tpu.wait_dma2 semaphore(%run_scoped3A : memref<!tpu.dma_semaphore, #tpu.memory_space<semaphore_mem>>) src(%arg9 : memref<128x104xf32, #tpu.memory_space<vmem>>) dst(%dma_wait3A_57 : memref<128x104xf32, #tpu.memory_space<hbm>>)
        tpu.yield
      }) : () -> ()
      "tpu.region"() ({
        %run_scoped3A = tpu.sem_alloc : memref<!tpu.dma_semaphore, #tpu.memory_space<semaphore_mem>>
        %dma_start3A_50 = arith.constant 104 : i32
        %dma_start3A_51 = tpu.memref_slice %arg6[%add3A_36, %dma_start3A_50] : memref<819200x136xf32, #tpu.memory_space<hbm>> -> memref<128x32xf32, #tpu.memory_space<hbm>>
        %dma_start3A_52 = arith.constant 104 : i32
        %dma_start3A_53 = tpu.memref_slice %arg6[%add3A_36, %dma_start3A_52] : memref<819200x136xf32, #tpu.memory_space<hbm>> -> memref<128x32xf32, #tpu.memory_space<hbm>>
        tpu.enqueue_dma source(%arg10 : memref<128x32xf32, #tpu.memory_space<vmem>>) target(%dma_start3A_53 : memref<128x32xf32, #tpu.memory_space<hbm>>) target_semaphore(%run_scoped3A : memref<!tpu.dma_semaphore, #tpu.memory_space<semaphore_mem>>)
        %dma_wait3A_54 = arith.constant 104 : i32
        %dma_wait3A_55 = tpu.memref_slice %arg6[%add3A_36, %dma_wait3A_54] : memref<819200x136xf32, #tpu.memory_space<hbm>> -> memref<128x32xf32, #tpu.memory_space<hbm>>
        %dma_wait3A_56 = arith.constant 104 : i32
        %dma_wait3A_57 = tpu.memref_slice %arg6[%add3A_36, %dma_wait3A_56] : memref<819200x136xf32, #tpu.memory_space<hbm>> -> memref<128x32xf32, #tpu.memory_space<hbm>>
        tpu.wait_dma2 semaphore(%run_scoped3A : memref<!tpu.dma_semaphore, #tpu.memory_space<semaphore_mem>>) src(%arg10 : memref<128x32xf32, #tpu.memory_space<vmem>>) dst(%dma_wait3A_57 : memref<128x32xf32, #tpu.memory_space<hbm>>)
        tpu.yield
      }) : () -> ()
      %lt3A = arith.constant 99 : i32
      %lt3A_37 = arith.cmpi slt, %scan3A_15, %lt3A : i32
      %convert_element_type3A = arith.extui %lt3A_37 : i1 to i32
      %cond3A = arith.constant 0 : i32
      %cond3A_38 = arith.cmpi ne, %convert_element_type3A, %cond3A : i32
      scf.if %cond3A_38 {
        %add3A_50 = arith.constant 2 : i32
        %add3A_51 = arith.addi %mul3A_17, %add3A_50 : i32
        %mul3A_52 = arith.constant 128 : i32
        %mul3A_53 = arith.muli %add3A_51, %mul3A_52 : i32
        %add3A_54 = arith.addi %mul3A_2, %mul3A_53 : i32
        "tpu.region"() ({
          %run_scoped3A = tpu.sem_alloc : memref<!tpu.dma_semaphore, #tpu.memory_space<semaphore_mem>>
          %dma_start3A_61 = tpu.memref_slice %arg4[%add3A_54] : memref<819200xi32, #tpu.memory_space<hbm>> -> memref<128xi32, #tpu.memory_space<hbm>>
          %dma_start3A_62 = tpu.memref_slice %arg4[%add3A_54] : memref<819200xi32, #tpu.memory_space<hbm>> -> memref<128xi32, #tpu.memory_space<hbm>>
          tpu.enqueue_dma source(%dma_start3A_62 : memref<128xi32, #tpu.memory_space<hbm>>) target(%arg7 : memref<128xi32, #tpu.memory_space<vmem>>) target_semaphore(%run_scoped3A : memref<!tpu.dma_semaphore, #tpu.memory_space<semaphore_mem>>)
          %dma_wait3A_63 = tpu.memref_slice %arg4[%add3A_54] : memref<819200xi32, #tpu.memory_space<hbm>> -> memref<128xi32, #tpu.memory_space<hbm>>
          %dma_wait3A_64 = tpu.memref_slice %arg4[%add3A_54] : memref<819200xi32, #tpu.memory_space<hbm>> -> memref<128xi32, #tpu.memory_space<hbm>>
          tpu.wait_dma2 semaphore(%run_scoped3A : memref<!tpu.dma_semaphore, #tpu.memory_space<semaphore_mem>>) src(%dma_wait3A_64 : memref<128xi32, #tpu.memory_space<hbm>>) dst(%arg7 : memref<128xi32, #tpu.memory_space<vmem>>)
          tpu.yield
        }) : () -> ()
        "tpu.region"() ({
          %run_scoped3A = tpu.sem_alloc : memref<!tpu.dma_semaphore, #tpu.memory_space<semaphore_mem>>
          %dma_start3A_61 = tpu.memref_slice %arg5[%add3A_54] : memref<819200xi32, #tpu.memory_space<hbm>> -> memref<128xi32, #tpu.memory_space<hbm>>
          %dma_start3A_62 = tpu.memref_slice %arg5[%add3A_54] : memref<819200xi32, #tpu.memory_space<hbm>> -> memref<128xi32, #tpu.memory_space<hbm>>
          tpu.enqueue_dma source(%dma_start3A_62 : memref<128xi32, #tpu.memory_space<hbm>>) target(%arg8 : memref<128xi32, #tpu.memory_space<vmem>>) target_semaphore(%run_scoped3A : memref<!tpu.dma_semaphore, #tpu.memory_space<semaphore_mem>>)
          %dma_wait3A_63 = tpu.memref_slice %arg5[%add3A_54] : memref<819200xi32, #tpu.memory_space<hbm>> -> memref<128xi32, #tpu.memory_space<hbm>>
          %dma_wait3A_64 = tpu.memref_slice %arg5[%add3A_54] : memref<819200xi32, #tpu.memory_space<hbm>> -> memref<128xi32, #tpu.memory_space<hbm>>
          tpu.wait_dma2 semaphore(%run_scoped3A : memref<!tpu.dma_semaphore, #tpu.memory_space<semaphore_mem>>) src(%dma_wait3A_64 : memref<128xi32, #tpu.memory_space<hbm>>) dst(%arg8 : memref<128xi32, #tpu.memory_space<vmem>>)
          tpu.yield
        }) : () -> ()
        %dma_start3A_55 = arith.constant 0 : i32
        %dma_start3A_56 = arith.constant 0 : i32
        %dma_start3A_57 = tpu.memref_slice %arg2[%dma_start3A_55, %dma_start3A_56] : memref<400001x104xf32, #tpu.memory_space<hbm>> -> memref<400001x104xf32, #tpu.memory_space<hbm>>
        tpu.enqueue_indirect_dma source(%dma_start3A_57 : memref<400001x104xf32, #tpu.memory_space<hbm>>) target(%arg9 : memref<128x104xf32, #tpu.memory_space<vmem>>) offsets(%arg7 : memref<128xi32, #tpu.memory_space<vmem>>) semaphore(%arg15 : memref<!tpu.dma_semaphore, #tpu.memory_space<semaphore_mem>>)
        %dma_start3A_58 = arith.constant 0 : i32
        %dma_start3A_59 = arith.constant 0 : i32
        %dma_start3A_60 = tpu.memref_slice %arg3[%dma_start3A_58, %dma_start3A_59] : memref<400001x32xf32, #tpu.memory_space<hbm>> -> memref<400001x32xf32, #tpu.memory_space<hbm>>
        tpu.enqueue_indirect_dma source(%dma_start3A_60 : memref<400001x32xf32, #tpu.memory_space<hbm>>) target(%arg10 : memref<128x32xf32, #tpu.memory_space<vmem>>) offsets(%arg8 : memref<128xi32, #tpu.memory_space<vmem>>) semaphore(%arg16 : memref<!tpu.dma_semaphore, #tpu.memory_space<semaphore_mem>>)
      } else {
      }
      %dma_wait3A_39 = arith.constant 0 : i32
      %dma_wait3A_40 = arith.constant 0 : i32
      %dma_wait3A_41 = tpu.memref_slice %arg2[%dma_wait3A_39, %dma_wait3A_40] : memref<400001x104xf32, #tpu.memory_space<hbm>> -> memref<400001x104xf32, #tpu.memory_space<hbm>>
      tpu.wait_indirect_dma semaphore(%arg17 : memref<!tpu.dma_semaphore, #tpu.memory_space<semaphore_mem>>) src(%dma_wait3A_41 : memref<400001x104xf32, #tpu.memory_space<hbm>>) dst(%arg13 : memref<128x104xf32, #tpu.memory_space<vmem>>)
      %dma_wait3A_42 = arith.constant 0 : i32
      %dma_wait3A_43 = arith.constant 0 : i32
      %dma_wait3A_44 = tpu.memref_slice %arg3[%dma_wait3A_42, %dma_wait3A_43] : memref<400001x32xf32, #tpu.memory_space<hbm>> -> memref<400001x32xf32, #tpu.memory_space<hbm>>
      tpu.wait_indirect_dma semaphore(%arg18 : memref<!tpu.dma_semaphore, #tpu.memory_space<semaphore_mem>>) src(%dma_wait3A_44 : memref<400001x32xf32, #tpu.memory_space<hbm>>) dst(%arg14 : memref<128x32xf32, #tpu.memory_space<vmem>>)
      %add3A_45 = arith.constant 1 : i32
      %add3A_46 = arith.addi %mul3A_17, %add3A_45 : i32
      %mul3A_47 = arith.constant 128 : i32
      %mul3A_48 = arith.muli %add3A_46, %mul3A_47 : i32
      %add3A_49 = arith.addi %mul3A_2, %mul3A_48 : i32
      "tpu.region"() ({
        %run_scoped3A = tpu.sem_alloc : memref<!tpu.dma_semaphore, #tpu.memory_space<semaphore_mem>>
        %dma_start3A_50 = arith.constant 0 : i32
        %dma_start3A_51 = tpu.memref_slice %arg6[%add3A_49, %dma_start3A_50] : memref<819200x136xf32, #tpu.memory_space<hbm>> -> memref<128x104xf32, #tpu.memory_space<hbm>>
        %dma_start3A_52 = arith.constant 0 : i32
        %dma_start3A_53 = tpu.memref_slice %arg6[%add3A_49, %dma_start3A_52] : memref<819200x136xf32, #tpu.memory_space<hbm>> -> memref<128x104xf32, #tpu.memory_space<hbm>>
        tpu.enqueue_dma source(%arg13 : memref<128x104xf32, #tpu.memory_space<vmem>>) target(%dma_start3A_53 : memref<128x104xf32, #tpu.memory_space<hbm>>) target_semaphore(%run_scoped3A : memref<!tpu.dma_semaphore, #tpu.memory_space<semaphore_mem>>)
        %dma_wait3A_54 = arith.constant 0 : i32
        %dma_wait3A_55 = tpu.memref_slice %arg6[%add3A_49, %dma_wait3A_54] : memref<819200x136xf32, #tpu.memory_space<hbm>> -> memref<128x104xf32, #tpu.memory_space<hbm>>
        %dma_wait3A_56 = arith.constant 0 : i32
        %dma_wait3A_57 = tpu.memref_slice %arg6[%add3A_49, %dma_wait3A_56] : memref<819200x136xf32, #tpu.memory_space<hbm>> -> memref<128x104xf32, #tpu.memory_space<hbm>>
        tpu.wait_dma2 semaphore(%run_scoped3A : memref<!tpu.dma_semaphore, #tpu.memory_space<semaphore_mem>>) src(%arg13 : memref<128x104xf32, #tpu.memory_space<vmem>>) dst(%dma_wait3A_57 : memref<128x104xf32, #tpu.memory_space<hbm>>)
        tpu.yield
      }) : () -> ()
      "tpu.region"() ({
        %run_scoped3A = tpu.sem_alloc : memref<!tpu.dma_semaphore, #tpu.memory_space<semaphore_mem>>
        %dma_start3A_50 = arith.constant 104 : i32
        %dma_start3A_51 = tpu.memref_slice %arg6[%add3A_49, %dma_start3A_50] : memref<819200x136xf32, #tpu.memory_space<hbm>> -> memref<128x32xf32, #tpu.memory_space<hbm>>
        %dma_start3A_52 = arith.constant 104 : i32
        %dma_start3A_53 = tpu.memref_slice %arg6[%add3A_49, %dma_start3A_52] : memref<819200x136xf32, #tpu.memory_space<hbm>> -> memref<128x32xf32, #tpu.memory_space<hbm>>
        tpu.enqueue_dma source(%arg14 : memref<128x32xf32, #tpu.memory_space<vmem>>) target(%dma_start3A_53 : memref<128x32xf32, #tpu.memory_space<hbm>>) target_semaphore(%run_scoped3A : memref<!tpu.dma_semaphore, #tpu.memory_space<semaphore_mem>>)
        %dma_wait3A_54 = arith.constant 104 : i32
        %dma_wait3A_55 = tpu.memref_slice %arg6[%add3A_49, %dma_wait3A_54] : memref<819200x136xf32, #tpu.memory_space<hbm>> -> memref<128x32xf32, #tpu.memory_space<hbm>>
        %dma_wait3A_56 = arith.constant 104 : i32
        %dma_wait3A_57 = tpu.memref_slice %arg6[%add3A_49, %dma_wait3A_56] : memref<819200x136xf32, #tpu.memory_space<hbm>> -> memref<128x32xf32, #tpu.memory_space<hbm>>
        tpu.wait_dma2 semaphore(%run_scoped3A : memref<!tpu.dma_semaphore, #tpu.memory_space<semaphore_mem>>) src(%arg14 : memref<128x32xf32, #tpu.memory_space<vmem>>) dst(%dma_wait3A_57 : memref<128x32xf32, #tpu.memory_space<hbm>>)
        tpu.yield
      }) : () -> ()
    }
    %scan3A_14 = arith.constant 100 : i32
    return
  }
}

</mosaic_0001>

<sc_bundles>
// kernel: _embed_concat.3.cloned.1.call-start
scs
__scs_entry_jumppad:
0x0: {  	(pc) =	sbr.rel $0x88, $3  }
0x1: {  	(tag) =	ssettag $0x0;
	lr =	simm.s32 $0x1  }
0x2: {  	[smem:$0x3F9D] =	sst lr;
	_ =	strace $0xD0000000  }
0x3: {  	_ = 	snop  }
0x4: {  	_ = 	snop  }
0x5: {  	_ = 	snop  }
0x6: {  	_ = 	snop  }
0x7: {  	_ = 	snop  }
__scs_overlays_trampoline_lowered:
0x8: {  	[smem:$0x3FAC] =	sst s0  }
0x9: {  	[smem:$0x3FAD] =	sst s1  }
0xa: {  	[smem:$0x3FAE] =	sst s2  }
0xb: {  	[smem:$0x3FAF] =	sst s3  }
0xc: {  	[smem:$0x3FB0] =	sst s4  }
0xd: {  	[smem:$0x3FB1] =	sst s5  }
0xe: {  	[smem:$0x3FB2] =	sst s6  }
0xf: {  	[smem:$0x3FB3] =	sst s7  }
0x10: {  	[smem:$0x3FB4] =	sst s8  }
0x11: {  	[smem:$0x3FB5] =	sst s9;
	s0 =	simm.s32 @!p0 $0x0  }
0x12: {  	s1 =	sld [smem:$0x3F9B];
	s0 =	simm.s32 @p0 $0x1  }
0x13: {  	[smem:$0x3FB6] =	sst s0;
	s0 =	simm.s32 @!p1 $0x0  }
0x14: {  	s2 =	sld [smem:$0x3F9A];
	s0 =	simm.s32 @p1 $0x1  }
0x15: {  	[smem:$0x3FB7] =	sst s0;
	s0 =	simm.s32 @!p2 $0x0  }
0x16: {  	s3 =	sld [smem:$0x3FDB];
	s0 =	simm.s32 @p2 $0x1  }
0x17: {  	s4 =	simm.s32 $0x1BF5;
	[smem:$0x3FB9] =	sst s0  }
0x18: {  	s0 =	sld [smem:$0x3F9C];
	_ =	swait.ge [sflag:s4], $0x0  }
0x19: {  	s7 =	sld [smem:$0x3F9D]  }
0x1a: {  	s8 =	sadd.s32 $0xFFFFE003, lr  }
0x1b: {  	s9 =	sadd.s32 $0xFFFFFEF7, lr;
	s5 =	simm.s32 $0xFFFFFFFF;
	p2 =	slt.u32 s8, $0xFFFFF086  }
0x1c: {  	p1 =	slt.u32 s9, $0xF7A;
	s5 =	simm.s32 @!p2 $0x0  }
0x1d: {  	s5 =	simm.s32 @p1 $0x1;
	p0 =	seq.s32 s7, s2  }
0x1e: {  	s7 =	smul.u32 @!p0 $0xF7A, s2;
	p2 =	seq.s32 @!p0 s5, $0x0  }
0x1f: {  	s9 =	smul.u32 $0xF7A, s1;
	s8 =	simm.s32 @!p0 $0x1BF5;
	p2 =	por !p2, p0  }
0x20: {  	[sflag:s8] =	ssyncset.s32 @!p0 $0xFFFFF086;
	s6 =	sadd.s32 @!p0 s3, s7;
	s7 =	simm.s32 @!p0 $0x108  }
0x21: {  	s3 =	sadd.s32 s3, s9;
	s6 =	sadd.s32 @!p0 $0x88, s6;
	s7 =	simm.s32 @p2 $0x1082  }
0x22: {  	[simem:s7], [sflag:s8] =	dma.local @!p0 [hbm:s6], $0xF7A  }
0x23: {  	s9 =	sor.u32 $0xD0000000, s2;
	s6 =	simm.s32 $0x108;
	_ =	swait.ge @!p0 [sflag:s8], $0x0  }
0x24: {  	s3 =	sadd.s32 $0x88, s3;
	s6 =	simm.s32 @!p1 $0x1082;
	[sflag:s4] =	ssyncset.s32 $0xFFFFF086  }
0x25: {  	[simem:s6], [sflag:s4] =	dma.local [hbm:s3], $0xF7A  }
0x26: {  	[smem:$0x3F9D] =	sst s1;
	(tag) =	ssettag s2;
	_ =	strace s9  }
0x27: {  	s1 =	sld [smem:$0x3FAD]  }
0x28: {  	s2 =	sld [smem:$0x3FAE]  }
0x29: {  	s4 =	sld [smem:$0x3FB0]  }
0x2a: {  	p0 =	seq.s32 s5, $0x0;
	s5 =	sld [smem:$0x3FB1]  }
0x2b: {  	s6 =	sld [smem:$0x3FB2]  }
0x2c: {  	s7 =	sld [smem:$0x3FB3]  }
0x2d: {  	s3 =	simm.s32 $0x108;
	s8 =	sld [smem:$0x3FB4]  }
0x2e: {  	s3 =	simm.s32 @!p0 $0x1082;
	s9 =	sld [smem:$0x3FB5]  }
0x2f: {  	lr =	sadd.s32 s0, s3;
	s0 =	sld [smem:$0x3FAC]  }
0x30: {  	s3 =	sld [smem:$0x3FAF]  }
0x31: {  	[smem:$0x3FB8] =	sst s10  }
0x32: {  	s10 =	sld [smem:$0x3FB6];
	_ =	sdelay $0x3  }
0x33: {  	p0 =	seq.s32 s10, $0x1;
	s10 =	sld [smem:$0x3FB8];
	_ =	sdelay $0x3  }
0x34: {  	[smem:$0x3FB8] =	sst s10  }
0x35: {  	s10 =	sld [smem:$0x3FB7];
	_ =	sdelay $0x3  }
0x36: {  	p1 =	seq.s32 s10, $0x1;
	s10 =	sld [smem:$0x3FB8];
	_ =	sdelay $0x3  }
0x37: {  	[smem:$0x3FB8] =	sst s10  }
0x38: {  	s10 =	sld [smem:$0x3FB9]  }
0x39: {  	_ = 	snop;
	(pc) =	sbr.ind lr, $3  }
0x3a: {  	_ = 	snop  }
0x3b: {  	_ = 	snop  }
0x3c: {  	p2 =	seq.s32 s10, $0x1;
	s10 =	sld [smem:$0x3FB8]  }
0x3d: {  	_ =	shalt  }
0x3e: {  	_ =	shalt  }
0x3f: {  	_ =	shalt  }
0x40: {  	_ =	shalt  }
0x41: {  	_ =	shalt  }
0x42: {  	_ =	shalt  }
0x43: {  	_ =	shalt  }
0x44: {  	_ =	shalt  }
0x45: {  	_ =	shalt  }
0x46: {  	_ =	shalt  }
0x47: {  	_ =	shalt  }
0x48: {  	_ =	shalt  }
0x49: {  	_ =	shalt  }
0x4a: {  	_ =	shalt  }
0x4b: {  	_ =	shalt  }
0x4c: {  	_ =	shalt  }
0x4d: {  	_ =	shalt  }
0x4e: {  	_ =	shalt  }
0x4f: {  	_ =	shalt  }
0x50: {  	_ =	shalt  }
0x51: {  	_ =	shalt  }
0x52: {  	_ =	shalt  }
0x53: {  	_ =	shalt  }
0x54: {  	_ =	shalt  }
0x55: {  	_ =	shalt  }
0x56: {  	_ =	shalt  }
0x57: {  	_ =	shalt  }
0x58: {  	_ =	shalt  }
0x59: {  	_ =	shalt  }
0x5a: {  	_ =	shalt  }
0x5b: {  	_ =	shalt  }
0x5c: {  	_ =	shalt  }
0x5d: {  	_ =	shalt  }
0x5e: {  	_ =	shalt  }
0x5f: {  	_ =	shalt  }
0x60: {  	_ =	shalt  }
0x61: {  	_ =	shalt  }
0x62: {  	_ =	shalt  }
0x63: {  	_ =	shalt  }
0x64: {  	_ =	shalt  }
0x65: {  	_ =	shalt  }
0x66: {  	_ =	shalt  }
0x67: {  	_ =	shalt  }
0x68: {  	_ =	shalt  }
0x69: {  	_ =	shalt  }
0x6a: {  	_ =	shalt  }
0x6b: {  	_ =	shalt  }
0x6c: {  	_ =	shalt  }
0x6d: {  	_ =	shalt  }
0x6e: {  	_ =	shalt  }
0x6f: {  	_ =	shalt  }
0x70: {  	_ =	shalt  }
0x71: {  	_ =	shalt  }
0x72: {  	_ =	shalt  }
0x73: {  	_ =	shalt  }
0x74: {  	_ =	shalt  }
0x75: {  	_ =	shalt  }
0x76: {  	_ =	shalt  }
0x77: {  	_ =	shalt  }
0x78: {  	_ =	shalt  }
0x79: {  	_ =	shalt  }
0x7a: {  	_ =	shalt  }
0x7b: {  	_ =	shalt  }
0x7c: {  	_ =	shalt  }
0x7d: {  	_ =	shalt  }
0x7e: {  	_ =	shalt  }
0x7f: {  	_ =	shalt  }
0x80: {  	_ =	shalt  }
0x81: {  	_ =	shalt  }
0x82: {  	_ =	shalt  }
0x83: {  	_ =	shalt  }
0x84: {  	_ =	shalt  }
0x85: {  	_ =	shalt  }
0x86: {  	_ =	shalt  }
0x87: {  	_ =	shalt  }
.Lfunc_end0:
.L_simem_size_0:
called_computation.1_lowered:
.L_overlay_start_0:
0x88: {  	s2 =	sld [smem:$0x3FD9]  }
0x89: {  	s3 =	sld [smem:$0x3FFE];
	_ =	sdelay $0x1  }
0x8a: {  	s1 =	srdreg.scid  }
0x8b: {  	s0 =	sand.u32 $0x1, s1  }
0x8c: {  	s17 =	sshll.u32 s0, $0xA;
	s2 =	sadd.s32 s3, s2  }
0x8d: {  	s2 =	sadd.s32 s2, s17  }
0x8e: {  	[smem:$0x3FC4] =	sst s2  }
0x8f: {  	_ = 	snop  }
0x90: {  	s2 =	sld [smem:$0x3FC7]  }
0x91: {  	s18 =	sld [smem:$0x3FC6]  }
0x92: {  	s4 =	sld [smem:$0x3FD0];
	(tm) =	ssettm $0x1  }
0x93: {  	s5 =	sld [smem:$0x3FFB];
	_ =	sdelay $0x3  }
0x94: {  	_ =	strace s5  }
0x95: {  	s5 =	sld [smem:$0x3FFC];
	_ =	sdelay $0x3  }
0x96: {  	_ =	strace s5  }
0x97: {  	s5 =	sld [smem:$0x3FFD];
	_ =	sdelay $0x3  }
0x98: {  	_ =	strace s5  }
0x99: {  	_ =	strace $0x8FFFFFFF  }
0x9a: {  	s19 =	sld [smem:$0x3FDB];
	_ =	sdelay $0x1  }
0x9b: {  	s6 =	simm.s32 $_scs_section_size  }
0x9c: {  	s7 =	simm.s32 $_size__tile_overlayer_lowered;
	s8 =	simm.s32 $_tile_overlayer_lowered  }
0x9d: {  	s22 =	simm.s32 $0x1BFF;
	s21 =	sshll.u32 s8, $0x1;
	s5 =	sadd.s32 s6, s19  }
0x9e: {  	s9 =	simm.s32 $0x0;
	s20 =	sshll.u32 s7, $0x1;
	s7 =	sadd.s32 s21, s5  }
0x9f: {  	[timem:s9], [sflag:s22] =	dma.local [hbm:s7], s20  }
0xa0: {  	_ =	swait.ge [sflag:s22], s20  }
0xa1: {  	s6 =	ssub.s32 $0x0, s20;
	[sflag:s22] =	ssyncset.done $0x0  }
0xa2: {  	[sflag:s22] =	ssyncadd.s32 s6;
	_ =	sdelay $0x1  }
0xa3: {  	s23 =	simm.s32 $0x1B8B  }
0xa4: {  	_ =	swait.ge [sflag:s23], $0x1  }
0xa5: {  	[sflag:s23] =	ssyncset.done $0x0  }
0xa6: {  	s25 =	simm.s32 $0x1B8E;
	s24 =	sld [smem:$0x3FFE];
	[sflag:s23] =	ssyncadd.s32 $0xFFFFFFFF  }
0xa7: {  	s26 =	simm.s32 $execute0_lowered;
	[smem:$0x3FD2] =	sst s25  }
0xa8: {  	s7 =	sshll.u32 s26, $0x1;
	_ =	strace $0x80000046;
	[dreg:$0x1] =	wrdreg $0xFFFFFFFF  }
0xa9: {  	s28 =	simm.s32 $_size_execute0_lowered;
	s5 =	sadd.s32 s5, s7;
	[dreg:$0x0] =	wrdreg $0x0  }
0xaa: {  	s7 =	sshll.u32 s28, $0x1;
	[dreg:$0x2] =	wrdreg s5  }
0xab: {  	[dreg:$0x3] =	wrdreg s7  }
0xac: {  	[dreg:$0x4] =	wrdreg $0xC0  }
0xad: {  	_ =	task [dreg:s9], $0x5FFFF  }
0xae: {  	[dreg:$0x1] =	wrdreg $0xFFFFFFFF  }
0xaf: {  	[dreg:$0x0] =	wrdreg $0x60  }
0xb0: {  	[dreg:$0x2] =	wrdreg s24  }
0xb1: {  	[dreg:$0x3] =	wrdreg s2  }
0xb2: {  	[dreg:$0x4] =	wrdreg s18  }
0xb3: {  	[dreg:$0x5] =	wrdreg s4  }
0xb4: {  	[dreg:$0x6] =	wrdreg $0x9  }
0xb5: {  	_ =	task.clear_ibuf [dreg:s9], $0x7FFFF;
	_ =	strace $0x90000046  }
0xb6: {  	s29 =	simm.s32 $0x9;
	_ =	strace $0x80000048  }
0xb7: {  	_ =	swait.ge [sflag:s29], $0x1  }
0xb8: {  	[sflag:s29] =	ssyncadd.s32 $0xFFFFFFFF  }
0xb9: {  	_ =	strace $0x90000048  }
0xba: {  	_ =	sfence  }
0xbb: {  	s30 =	sld [smem:$0x0];
	_ =	sdelay $0x2  }
0xbc: {  	s31 =	sshll.u32 s1, $0xD;
	s1 =	sshrl.u32 s1, $0x2  }
0xbd: {  	s3 =	sand.u32 $0x4000, s31;
	s1 =	sadd.s32 s1, s30  }
0xbe: {  	s0 =	sor.u32 s3, s0;
	s1 =	sshll.u32 s1, $0x11  }
0xbf: {  	s0 =	sor.u32 s1, s0  }
0xc0: {  	s0 =	sadd.s32 $0x8F2B, s0  }
0xc1: {  	[sflag:s0] =	ssyncadd.remote.s32 $0x1  }
0xc2: {  	_ =	sfence.sel $0xFFFF  }
0xc3: {  	[dreg:$0x0] =	wrdreg $0xFFFFFFFF;
	(pc) =	sbr.abs _section_cstart, $3  }
0xc4: {  	[dreg:$0x1] =	wrdreg $0xFFFFFFFF  }
0xc5: {  	_ =	task.clear_ibuf [dreg:s9], $0x2FFFF;
	_ =	strace $0x9FFFFFFF  }
0xc6: {  	(tm) =	ssettm $0x7FFFFFFF  }
0xc7: {  	_ =	shalt  }
tec
execute0_lowered:
.L_overlay_start_1:
0x0: {  	(tag) =	ssettag $0x1  }
0x1: {  	s4 =	rddreg [dreg:$0x0]  }
0x2: {  	s8 =	rddreg [dreg:$0x1]  }
0x3: {  	s9 =	rddreg [dreg:$0x2]  }
0x4: {  	s10 =	rddreg [dreg:$0x3]  }
0x5: {  	s3 =	srdreg.scid;
	s0 =	stileid.u32  }
0x6: {  	s2 =	simm.s32 $0x0;
	s16 =	simm.s32 $0x7A00;
	s17 =	simm.s32 $0x1  }
0x7: {  	s18 =	simm.s32 $0x2;
	s19 =	simm.s32 $0x68;
	s20 =	simm.s32 $0x88  }
0x8: {  	s21 =	simm.s32 $0x20;
	s22 =	simm.s32 $0x3;
	s23 =	simm.s32 $0x4  }
0x9: {  	s24 =	simm.s32 $0x0;
	s11 =	sand.u32 $0x1, s3;
	s5 =	smul.u32 $0xC800, s0  }
0xa: {  	[smem:$0x7FF] =	sst s2;
	s6 =	sshll.u32 s0, $0x1;
	s30 =	smul.u32 $0xD4800, s0  }
0xb: {  	s3 =	sadd.s32 $0x800, s4;
	s4 =	sadd.s32 $0x4F6200, s4;
	s7 =	smul.u32 $0x6400, s11  }
0xc: {  	s6 =	sor.u32 s11, s6;
	s12 =	ssub.s32 $0x2, s11;
	s11 =	smul.u32 $0x6A400, s11  }
0xd: {  	_ =	strace $0x80000047;
	s6 =	smul.u32 $0x6400, s6;
	s26 =	sshrl.u32 s12, $0x1  }
0xe: {  	s10 =	sadd.s32 s30, s10;
	s13 =	sadd.s32 s7, s5;
	s12 =	ssub.s32 s12, s26  }
0xf: {  	s7 =	sor.u32 $0x100, s13;
	s6 =	sshrl.u32 s6, $0x3;
	s28 =	sor.u32 $0x80, s13  }
0x10: {  	s13 =	simm.s32 $0x4500;
	s14 =	sshrl.u32 s7, $0x3;
	s5 =	sadd.s32 s8, s6  }
0x11: {  	s6 =	sadd.s32 s9, s6;
	s7 =	smax.u32 s12, $0x1;
	s12 =	sshrl.u32 s28, $0x3  }
0x12: {  	s15 =	sadd.s32 s14, s9;
	s29 =	sadd.s32 s14, s8;
	s9 =	sadd.s32 s12, s9  }
0x13: {  	s31 =	sadd.s32 s12, s8;
	s8 =	sadd.s32 s11, s10;
	[dreg:$0x5] =	wrdreg s15  }
0x14: {  	s10 =	simm.s32 $0x80;
	s11 =	simm.s32 $0x100;
	[dreg:$0x6] =	wrdreg s29  }
0x15: {  	s12 =	simm.s32 $0x3500;
	s14 =	simm.s32 $0x4580;
	[dreg:$0x7] =	wrdreg s9  }
0x16: {  	[dreg:$0x8] =	wrdreg s31;
	s9 =	simm.s32 $0x5;
	s15 =	simm.s32 $0x4600  }
.LBB2_1:
0x17: {  	[tilespmem:s2], [sflag:$0x5] =	stream.linear.gather [hbm4b:s5+s2], $0x80, $0x38;
	[tilespmem:$0x8A00] =	vst v63  }
0x18: {  	_ =	swait.ge [sflag:s9], $0x80  }
0x19: {  	[sflag:s9] =	ssyncset.done $0x0  }
0x1a: {  	[sflag:s9] =	ssyncadd.s32 $0xFFFFFF80  }
0x1b: {  	[tilespmem:s10], [sflag:$0x5] =	stream.linear.gather [hbm4b:s6+s2], $0x80, $0x38;
	[tilespmem:$0x8A00] =	vst v63  }
0x1c: {  	_ =	swait.ge [sflag:s9], $0x80  }
0x1d: {  	[sflag:s9] =	ssyncset.done $0x0  }
0x1e: {  	[sflag:s9] =	ssyncadd.s32 $0xFFFFFF80  }
0x1f: {  	[tilespmem:s11], [sflag:$0x1] =	stream.indirect.gather [hbm4b:s3+s10], $0x68, s2, s10, $0xb8;
	[tilespmem:$0x8A00] =	vst v63  }
0x20: {  	s25 =	rddreg [dreg:$0x8]  }
0x21: {  	[tilespmem:s12], [sflag:$0x2] =	stream.indirect.gather [hbm4b:s4+s10], $0x20, s10, s10, $0xb8;
	[tilespmem:$0x8A00] =	vst v63  }
0x22: {  	s25 =	sadd.s32 $0x0, s25  }
0x23: {  	[tilespmem:s13], [sflag:$0x5] =	stream.linear.gather [hbm4b:s25+s2], $0x80, $0x38;
	[tilespmem:$0x8A00] =	vst v63  }
0x24: {  	_ =	swait.ge [sflag:s9], $0x80  }
0x25: {  	s26 =	rddreg [dreg:$0x7];
	[sflag:s9] =	ssyncset.done $0x0  }
0x26: {  	[sflag:s9] =	ssyncadd.s32 $0xFFFFFF80;
	s25 =	sadd.s32 $0x0, s26  }
0x27: {  	[tilespmem:s14], [sflag:$0x5] =	stream.linear.gather [hbm4b:s25+s2], $0x80, $0x38;
	[tilespmem:$0x8A00] =	vst v63  }
0x28: {  	_ =	swait.ge [sflag:s9], $0x80  }
0x29: {  	[sflag:s9] =	ssyncset.done $0x0  }
0x2a: {  	[sflag:s9] =	ssyncadd.s32 $0xFFFFFF80  }
0x2b: {  	[tilespmem:s15], [sflag:$0x3] =	stream.indirect.gather [hbm4b:s3+s10], $0x68, s13, s10, $0xb8;
	[tilespmem:$0x8A00] =	vst v63  }
0x2c: {  	_ = 	snop  }
0x2d: {  	[tilespmem:s16], [sflag:$0x4] =	stream.indirect.gather [hbm4b:s4+s10], $0x20, s14, s10, $0xb8;
	[tilespmem:$0x8A00] =	vst v63  }
0x2e: {  	_ =	swait.ge [sflag:s17], $0x3400  }
0x2f: {  	[sflag:s17] =	ssyncset.done $0x0  }
0x30: {  	[sflag:s17] =	ssyncadd.s32 $0xFFFFCC00  }
0x31: {  	_ =	swait.ge [sflag:s18], $0x1000  }
0x32: {  	[sflag:s18] =	ssyncset.done $0x0  }
0x33: {  	[sflag:s18] =	ssyncadd.s32 $0xFFFFF000  }
0x34: {  	[hbm4b:s8+s19] =	stream.strided.scatter [tilespmem:s11], [sflag:$0x5], $0x3400, s20, s19, $0x38;
	[tilespmem:$0x8A00] =	vst v63  }
0x35: {  	_ =	swait.ge [sflag:s9], $0x3400  }
0x36: {  	[sflag:s9] =	ssyncset.done $0x0  }
0x37: {  	s29 =	sadd.s32 $0xD, s8;
	[sflag:s9] =	ssyncadd.s32 $0xFFFFCC00  }
0x38: {  	[hbm4b:s29+s21] =	stream.strided.scatter [tilespmem:s12], [sflag:$0x5], $0x1000, s20, s21, $0x38;
	[tilespmem:$0x8A00] =	vst v63  }
0x39: {  	p0 =	por $0x0, $0x0;
	_ =	swait.ge [sflag:s9], $0x1000  }
0x3a: {  	s28 =	simm.s32 @!p0 $0x5;
	s25 =	rddreg [dreg:$0x6];
	[sflag:s9] =	ssyncset.done $0x0  }
0x3b: {  	s26 =	simm.s32 @!p0 $0x0;
	[sflag:s9] =	ssyncadd.s32 $0xFFFFF000;
	s25 =	sadd.s32 @!p0 $0x0, s25  }
0x3c: {  	[tilespmem:s26], [sflag:$0x5] =	stream.linear.gather @!p0 [hbm4b:s25+s26], $0x80, $0x38;
	[tilespmem:$0x8A00] =	vst v63  }
0x3d: {  	_ =	swait.ge @!p0 [sflag:s28], $0x80  }
0x3e: {  	s25 =	rddreg [dreg:$0x5];
	[sflag:s28] =	ssyncset.done @!p0 $0x0  }
0x3f: {  	s29 =	simm.s32 @!p0 $0x80;
	[sflag:s28] =	ssyncadd.s32 @!p0 $0xFFFFFF80;
	s25 =	sadd.s32 @!p0 $0x0, s25  }
0x40: {  	[tilespmem:s29], [sflag:$0x5] =	stream.linear.gather @!p0 [hbm4b:s25+s26], $0x80, $0x38;
	[tilespmem:$0x8A00] =	vst v63  }
0x41: {  	_ =	swait.ge @!p0 [sflag:s28], $0x80  }
0x42: {  	[sflag:s28] =	ssyncset.done @!p0 $0x0  }
0x43: {  	s25 =	simm.s32 @!p0 $0x100;
	[sflag:s28] =	ssyncadd.s32 @!p0 $0xFFFFFF80  }
0x44: {  	[tilespmem:s25], [sflag:$0x1] =	stream.indirect.gather @!p0 [hbm4b:s3+s29], $0x68, s26, s29, $0xb8;
	[tilespmem:$0x8A00] =	vst v63  }
0x45: {  	s25 =	simm.s32 @!p0 $0x3500  }
0x46: {  	[tilespmem:s25], [sflag:$0x2] =	stream.indirect.gather @!p0 [hbm4b:s4+s29], $0x20, s29, s29, $0xb8;
	[tilespmem:$0x8A00] =	vst v63  }
0x47: {  	_ =	swait.ge [sflag:s22], $0x3400  }
0x48: {  	[sflag:s22] =	ssyncset.done $0x0  }
0x49: {  	[sflag:s22] =	ssyncadd.s32 $0xFFFFCC00  }
0x4a: {  	_ =	swait.ge [sflag:s23], $0x1000  }
0x4b: {  	[sflag:s23] =	ssyncset.done $0x0  }
0x4c: {  	s30 =	sadd.s32 $0x880, s8;
	[sflag:s23] =	ssyncadd.s32 $0xFFFFF000  }
0x4d: {  	[hbm4b:s30+s19] =	stream.strided.scatter [tilespmem:s15], [sflag:$0x5], $0x3400, s20, s19, $0x38;
	[tilespmem:$0x8A00] =	vst v63  }
0x4e: {  	_ =	swait.ge [sflag:s9], $0x3400  }
0x4f: {  	[sflag:s9] =	ssyncset.done $0x0  }
0x50: {  	s31 =	sadd.s32 $0x88D, s8;
	s28 =	simm.s32 $0x40;
	[sflag:s9] =	ssyncadd.s32 $0xFFFFCC00  }
0x51: {  	[hbm4b:s31+s21] =	stream.strided.scatter [tilespmem:s16], [sflag:$0x5], $0x1000, s20, s21, $0x38;
	[tilespmem:$0x8A00] =	vst v63  }
0x52: {  	s26 =	simm.s32 $0x20;
	s25 =	sadd.s32 $0x1100, s8;
	_ =	swait.ge [sflag:s9], $0x1000  }
.LBB2_2:
0x53: {  	s30 =	rddreg [dreg:$0x8];
	[sflag:s9] =	ssyncset.done $0x0  }
0x54: {  	[sflag:s9] =	ssyncadd.s32 $0xFFFFF000;
	s30 =	sadd.s32 s26, s30  }
0x55: {  	[tilespmem:s13], [sflag:$0x5] =	stream.linear.gather [hbm4b:s30+s2], $0x80, $0x38;
	[tilespmem:$0x8A00] =	vst v63  }
0x56: {  	_ =	swait.ge [sflag:s9], $0x80  }
0x57: {  	s0 =	rddreg [dreg:$0x7];
	[sflag:s9] =	ssyncset.done $0x0  }
0x58: {  	[sflag:s9] =	ssyncadd.s32 $0xFFFFFF80;
	s30 =	sadd.s32 s26, s0  }
0x59: {  	[tilespmem:s14], [sflag:$0x5] =	stream.linear.gather [hbm4b:s30+s2], $0x80, $0x38;
	[tilespmem:$0x8A00] =	vst v63  }
0x5a: {  	_ =	swait.ge [sflag:s9], $0x80  }
0x5b: {  	[sflag:s9] =	ssyncset.done $0x0  }
0x5c: {  	[sflag:s9] =	ssyncadd.s32 $0xFFFFFF80  }
0x5d: {  	[tilespmem:s15], [sflag:$0x3] =	stream.indirect.gather [hbm4b:s3+s10], $0x68, s13, s10, $0xb8;
	[tilespmem:$0x8A00] =	vst v63  }
0x5e: {  	_ = 	snop  }
0x5f: {  	[tilespmem:s16], [sflag:$0x4] =	stream.indirect.gather [hbm4b:s4+s10], $0x20, s14, s10, $0xb8;
	[tilespmem:$0x8A00] =	vst v63  }
0x60: {  	_ =	swait.ge [sflag:s17], $0x3400  }
0x61: {  	[sflag:s17] =	ssyncset.done $0x0  }
0x62: {  	[sflag:s17] =	ssyncadd.s32 $0xFFFFCC00  }
0x63: {  	_ =	swait.ge [sflag:s18], $0x1000  }
0x64: {  	[sflag:s18] =	ssyncset.done $0x0  }
0x65: {  	[sflag:s18] =	ssyncadd.s32 $0xFFFFF000  }
0x66: {  	[hbm4b:s25+s19] =	stream.strided.scatter [tilespmem:s11], [sflag:$0x5], $0x3400, s20, s19, $0x38;
	[tilespmem:$0x8A00] =	vst v63  }
0x67: {  	_ =	swait.ge [sflag:s9], $0x3400  }
0x68: {  	[sflag:s9] =	ssyncset.done $0x0  }
0x69: {  	s1 =	sadd.s32 $0xD, s25;
	[sflag:s9] =	ssyncadd.s32 $0xFFFFCC00  }
0x6a: {  	[hbm4b:s1+s21] =	stream.strided.scatter [tilespmem:s12], [sflag:$0x5], $0x1000, s20, s21, $0x38;
	[tilespmem:$0x8A00] =	vst v63  }
0x6b: {  	p1 =	seq.s32 s26, $0xC60;
	_ =	swait.ge [sflag:s9], $0x1000  }
0x6c: {  	s31 =	simm.s32 @!p1 $0x0;
	s30 =	rddreg [dreg:$0x6];
	[sflag:s9] =	ssyncset.done $0x0  }
0x6d: {  	s0 =	simm.s32 @!p1 $0x5;
	[sflag:s9] =	ssyncadd.s32 $0xFFFFF000;
	s30 =	sadd.s32 @!p1 s26, s30  }
0x6e: {  	[tilespmem:s31], [sflag:$0x5] =	stream.linear.gather @!p1 [hbm4b:s30+s31], $0x80, $0x38;
	[tilespmem:$0x8A00] =	vst v63  }
0x6f: {  	_ =	swait.ge @!p1 [sflag:s0], $0x80  }
0x70: {  	[sflag:s0] =	ssyncset.done @!p1 $0x0;
	s30 =	rddreg [dreg:$0x5]  }
0x71: {  	s1 =	simm.s32 @!p1 $0x80;
	[sflag:s0] =	ssyncadd.s32 @!p1 $0xFFFFFF80;
	s30 =	sadd.s32 @!p1 s26, s30  }
0x72: {  	[tilespmem:s1], [sflag:$0x5] =	stream.linear.gather @!p1 [hbm4b:s30+s31], $0x80, $0x38;
	[tilespmem:$0x8A00] =	vst v63  }
0x73: {  	_ =	swait.ge @!p1 [sflag:s0], $0x80  }
0x74: {  	s29 =	smov.u32 s28;
	[sflag:s0] =	ssyncset.done @!p1 $0x0  }
0x75: {  	s26 =	smov.u32 s29;
	s29 =	simm.s32 @!p1 $0x100;
	[sflag:s0] =	ssyncadd.s32 @!p1 $0xFFFFFF80  }
0x76: {  	[tilespmem:s29], [sflag:$0x1] =	stream.indirect.gather @!p1 [hbm4b:s3+s1], $0x68, s31, s1, $0xb8;
	[tilespmem:$0x8A00] =	vst v63  }
0x77: {  	s0 =	simm.s32 @!p1 $0x3500  }
0x78: {  	[tilespmem:s0], [sflag:$0x2] =	stream.indirect.gather @!p1 [hbm4b:s4+s1], $0x20, s1, s1, $0xb8;
	[tilespmem:$0x8A00] =	vst v63  }
0x79: {  	_ =	swait.ge [sflag:s22], $0x3400  }
0x7a: {  	[sflag:s22] =	ssyncset.done $0x0  }
0x7b: {  	[sflag:s22] =	ssyncadd.s32 $0xFFFFCC00  }
0x7c: {  	_ =	swait.ge [sflag:s23], $0x1000  }
0x7d: {  	s28 =	sadd.s32 $0x20, s28;
	[sflag:s23] =	ssyncset.done $0x0  }
0x7e: {  	p0 =	sne.s32 s28, $0xC80;
	s30 =	sadd.s32 $0x880, s25;
	[sflag:s23] =	ssyncadd.s32 $0xFFFFF000  }
0x7f: {  	[hbm4b:s30+s19] =	stream.strided.scatter [tilespmem:s15], [sflag:$0x5], $0x3400, s20, s19, $0x38;
	[tilespmem:$0x8A00] =	vst v63  }
.Ltmp0:
0x80: {  	_ =	swait.ge [sflag:s9], $0x3400;
	(pc) =	sbr.rel @p0 .LBB2_2-.Ltmp0, $4  }
0x81: {  	[sflag:s9] =	ssyncset.done $0x0  }
0x82: {  	s31 =	sadd.s32 $0x88D, s25;
	[sflag:s9] =	ssyncadd.s32 $0xFFFFCC00  }
0x83: {  	[hbm4b:s31+s21] =	stream.strided.scatter [tilespmem:s16], [sflag:$0x5], $0x1000, s20, s21, $0x38;
	[tilespmem:$0x8A00] =	vst v63  }
0x84: {  	s25 =	sadd.s32 $0x1100, s25;
	_ =	swait.ge [sflag:s9], $0x1000  }
0x85: {  	s0 =	rddreg [dreg:$0x8];
	[sflag:s9] =	ssyncset.done $0x0  }
0x86: {  	[sflag:s9] =	ssyncadd.s32 $0xFFFFF000;
	s0 =	sadd.s32 s26, s0  }
0x87: {  	[tilespmem:s13], [sflag:$0x5] =	stream.linear.gather [hbm4b:s0+s2], $0x80, $0x38;
	[tilespmem:$0x8A00] =	vst v63  }
0x88: {  	_ =	swait.ge [sflag:s9], $0x80  }
0x89: {  	s28 =	rddreg [dreg:$0x7];
	[sflag:s9] =	ssyncset.done $0x0  }
0x8a: {  	[sflag:s9] =	ssyncadd.s32 $0xFFFFFF80;
	s0 =	sadd.s32 s26, s28  }
0x8b: {  	[tilespmem:s14], [sflag:$0x5] =	stream.linear.gather [hbm4b:s0+s2], $0x80, $0x38;
	[tilespmem:$0x8A00] =	vst v63  }
0x8c: {  	_ =	swait.ge [sflag:s9], $0x80  }
0x8d: {  	[sflag:s9] =	ssyncset.done $0x0  }
0x8e: {  	[sflag:s9] =	ssyncadd.s32 $0xFFFFFF80  }
0x8f: {  	[tilespmem:s15], [sflag:$0x3] =	stream.indirect.gather [hbm4b:s3+s10], $0x68, s13, s10, $0xb8;
	[tilespmem:$0x8A00] =	vst v63  }
0x90: {  	_ = 	snop  }
0x91: {  	[tilespmem:s16], [sflag:$0x4] =	stream.indirect.gather [hbm4b:s4+s10], $0x20, s14, s10, $0xb8;
	[tilespmem:$0x8A00] =	vst v63  }
0x92: {  	_ =	swait.ge [sflag:s17], $0x3400  }
0x93: {  	[sflag:s17] =	ssyncset.done $0x0  }
0x94: {  	[sflag:s17] =	ssyncadd.s32 $0xFFFFCC00  }
0x95: {  	_ =	swait.ge [sflag:s18], $0x1000  }
0x96: {  	[sflag:s18] =	ssyncset.done $0x0  }
0x97: {  	[sflag:s18] =	ssyncadd.s32 $0xFFFFF000  }
0x98: {  	[hbm4b:s25+s19] =	stream.strided.scatter [tilespmem:s11], [sflag:$0x5], $0x3400, s20, s19, $0x38;
	[tilespmem:$0x8A00] =	vst v63  }
0x99: {  	_ =	swait.ge [sflag:s9], $0x3400  }
0x9a: {  	[sflag:s9] =	ssyncset.done $0x0  }
0x9b: {  	s29 =	sadd.s32 $0xD, s25;
	[sflag:s9] =	ssyncadd.s32 $0xFFFFCC00  }
0x9c: {  	[hbm4b:s29+s21] =	stream.strided.scatter [tilespmem:s12], [sflag:$0x5], $0x1000, s20, s21, $0x38;
	[tilespmem:$0x8A00] =	vst v63  }
0x9d: {  	p0 =	seq.s32 s26, $0xC60;
	_ =	swait.ge [sflag:s9], $0x1000  }
0x9e: {  	s1 =	simm.s32 @!p0 $0x0;
	s0 =	rddreg [dreg:$0x6];
	[sflag:s9] =	ssyncset.done $0x0  }
0x9f: {  	s28 =	simm.s32 @!p0 $0x5;
	[sflag:s9] =	ssyncadd.s32 $0xFFFFF000;
	s0 =	sadd.s32 @!p0 s26, s0  }
0xa0: {  	[tilespmem:s1], [sflag:$0x5] =	stream.linear.gather @!p0 [hbm4b:s0+s1], $0x80, $0x38;
	[tilespmem:$0x8A00] =	vst v63  }
0xa1: {  	_ =	swait.ge @!p0 [sflag:s28], $0x80  }
0xa2: {  	s0 =	rddreg [dreg:$0x5];
	[sflag:s28] =	ssyncset.done @!p0 $0x0  }
0xa3: {  	s29 =	simm.s32 @!p0 $0x80;
	[sflag:s28] =	ssyncadd.s32 @!p0 $0xFFFFFF80;
	s0 =	sadd.s32 @!p0 s26, s0  }
0xa4: {  	[tilespmem:s29], [sflag:$0x5] =	stream.linear.gather @!p0 [hbm4b:s0+s1], $0x80, $0x38;
	[tilespmem:$0x8A00] =	vst v63  }
0xa5: {  	_ =	swait.ge @!p0 [sflag:s28], $0x80  }
0xa6: {  	[sflag:s28] =	ssyncset.done @!p0 $0x0  }
0xa7: {  	s0 =	simm.s32 @!p0 $0x100;
	[sflag:s28] =	ssyncadd.s32 @!p0 $0xFFFFFF80  }
0xa8: {  	[tilespmem:s0], [sflag:$0x1] =	stream.indirect.gather @!p0 [hbm4b:s3+s29], $0x68, s1, s29, $0xb8;
	[tilespmem:$0x8A00] =	vst v63  }
0xa9: {  	s0 =	simm.s32 @!p0 $0x3500  }
0xaa: {  	[tilespmem:s0], [sflag:$0x2] =	stream.indirect.gather @!p0 [hbm4b:s4+s29], $0x20, s29, s29, $0xb8;
	[tilespmem:$0x8A00] =	vst v63  }
0xab: {  	_ =	swait.ge [sflag:s22], $0x3400  }
0xac: {  	[sflag:s22] =	ssyncset.done $0x0  }
0xad: {  	[sflag:s22] =	ssyncadd.s32 $0xFFFFCC00  }
0xae: {  	_ =	swait.ge [sflag:s23], $0x1000  }
0xaf: {  	[sflag:s23] =	ssyncset.done $0x0  }
0xb0: {  	s30 =	sadd.s32 $0x880, s25;
	[sflag:s23] =	ssyncadd.s32 $0xFFFFF000  }
0xb1: {  	[hbm4b:s30+s19] =	stream.strided.scatter [tilespmem:s15], [sflag:$0x5], $0x3400, s20, s19, $0x38;
	[tilespmem:$0x8A00] =	vst v63  }
0xb2: {  	s24 =	sadd.s32 $0x1, s24;
	_ =	swait.ge [sflag:s9], $0x3400  }
0xb3: {  	p0 =	sne.s32 s24, s7;
	[sflag:s9] =	ssyncset.done $0x0  }
.Ltmp1:
0xb4: {  	s31 =	sadd.s32 $0x88D, s25;
	[sflag:s9] =	ssyncadd.s32 $0xFFFFCC00;
	(pc) =	sbr.rel @p0 .LBB2_1-.Ltmp1, $4  }
0xb5: {  	[hbm4b:s31+s21] =	stream.strided.scatter [tilespmem:s16], [sflag:$0x5], $0x1000, s20, s21, $0x38;
	[tilespmem:$0x8A00] =	vst v63  }
0xb6: {  	_ =	swait.ge [sflag:s9], $0x1000  }
0xb7: {  	[sflag:s9] =	ssyncset.done $0x0  }
0xb8: {  	[sflag:s9] =	ssyncadd.s32 $0xFFFFF000  }
0xb9: {  	_ =	sfence.sel $0x180000  }
0xba: {  	[bflag:$0x0] =	sbarrier.arrive $0xFFFF  }
0xbb: {  	_ =	strace $0x90000047  }
0xbc: {  	s0 =	stileid.u32;
	[bflag:$0x2] =	sbarrier.arrive $0xFFFF  }
0xbd: {  	p0 =	sne.s32 s0, $0x0;
	s0 =	rddreg [dreg:$0x4]  }
0xbe: {  	s0 =	sadd.s32 @!p0 $0x100000, s0  }
0xbf: {  	[sflag:s0] =	ssyncadd.tile.s32 @!p0 $0x1;
	_ =	shalt  }
.Lfunc_end2:
_tile_overlayer_lowered:
.L_overlay_start_2:
0xc0: {  	(tag) =	ssettag $0x2  }
0xc1: {  	s0 =	rddreg [dreg:$0x0];
	s2 =	stileid.u32  }
0xc2: {  	s1 =	rddreg [dreg:$0x1];
	p0 =	sne.s32 s2, $0x0  }
0xc3: {  	s3 =	rddreg [dreg:$0x2];
	[bflag:$0x3] =	sbarrier.arrive $0xFFFF;
	s2 =	simm.s32 @!p0 $0x1C05  }
0xc4: {  	[timem:s3], [sflag:s2] =	dma.local @!p0 [hbm:s0], s1  }
0xc5: {  	s0 =	simm.s32 @!p0 $0x5  }
0xc6: {  	_ =	swait.ge @!p0 [sflag:s0], s1  }
0xc7: {  	s1 =	ssub.s32 @!p0 $0x0, s1;
	[sflag:s0] =	ssyncset.done @!p0 $0x0  }
0xc8: {  	[sflag:s0] =	ssyncadd.s32 @!p0 s1  }
0xc9: {  	[bflag:$0x3] =	sbarrier.arrive $0xFFFF  }
0xca: {  	_ =	shalt  }

// kernel: sparse-core-data-format-call.cloned.1.call-start
scs
called_computation_lowered:
.L_overlay_start_0:
0x0: {  	s2 =	sld [smem:$0x3FD9]  }
0x1: {  	s3 =	sld [smem:$0x3FFE];
	_ =	sdelay $0x1  }
0x2: {  	s1 =	srdreg.scid  }
0x3: {  	s0 =	sand.u32 $0x1, s1  }
0x4: {  	s18 =	sshll.u32 s0, $0xA;
	s2 =	sadd.s32 s3, s2  }
0x5: {  	s2 =	sadd.s32 s2, s18  }
0x6: {  	[smem:$0x3FC4] =	sst s2  }
0x7: {  	_ = 	snop  }
0x8: {  	s2 =	sld [smem:$0x3FD0];
	(tm) =	ssettm $0x1  }
0x9: {  	s19 =	sld [smem:$0x3FFB];
	_ =	sdelay $0x3  }
0xa: {  	_ =	strace s19  }
0xb: {  	s3 =	sld [smem:$0x3FFC];
	_ =	sdelay $0x3  }
0xc: {  	_ =	strace s3  }
0xd: {  	s3 =	sld [smem:$0x3FFD];
	_ =	sdelay $0x3  }
0xe: {  	_ =	strace s3  }
0xf: {  	_ =	strace $0x8FFFFFFF  }
0x10: {  	s20 =	sld [smem:$0x3FDB];
	_ =	sdelay $0x1  }
0x11: {  	s4 =	simm.s32 $_scs_section_size  }
0x12: {  	s5 =	simm.s32 $_size__tile_overlayer_lowered;
	s6 =	simm.s32 $_tile_overlayer_lowered  }
0x13: {  	s23 =	simm.s32 $0x1BFF;
	s22 =	sshll.u32 s6, $0x1;
	s3 =	sadd.s32 s4, s20  }
0x14: {  	s7 =	simm.s32 $0x0;
	s21 =	sshll.u32 s5, $0x1;
	s5 =	sadd.s32 s22, s3  }
0x15: {  	[timem:s7], [sflag:s23] =	dma.local [hbm:s5], s21  }
0x16: {  	_ =	swait.ge [sflag:s23], s21  }
0x17: {  	s4 =	ssub.s32 $0x0, s21;
	[sflag:s23] =	ssyncset.done $0x0  }
0x18: {  	[sflag:s23] =	ssyncadd.s32 s4;
	_ =	sdelay $0x1  }
0x19: {  	s24 =	simm.s32 $0x1B8B  }
0x1a: {  	_ =	swait.ge [sflag:s24], $0x1  }
0x1b: {  	[sflag:s24] =	ssyncset.done $0x0  }
0x1c: {  	s26 =	simm.s32 $0x1B8E;
	s25 =	sld [smem:$0x3FFE];
	[sflag:s24] =	ssyncadd.s32 $0xFFFFFFFF  }
0x1d: {  	s27 =	simm.s32 $execute0_lowered;
	[smem:$0x3FD2] =	sst s26  }
0x1e: {  	s5 =	sshll.u32 s27, $0x1;
	_ =	strace $0x80000049;
	[dreg:$0x1] =	wrdreg $0xFFFFFFFF  }
0x1f: {  	s28 =	simm.s32 $_size_execute0_lowered;
	s3 =	sadd.s32 s3, s5;
	[dreg:$0x0] =	wrdreg $0x0  }
0x20: {  	s5 =	sshll.u32 s28, $0x1;
	[dreg:$0x2] =	wrdreg s3  }
0x21: {  	[dreg:$0x3] =	wrdreg s5  }
0x22: {  	[dreg:$0x4] =	wrdreg $0xC0  }
0x23: {  	_ =	task [dreg:s7], $0x5FFFF  }
0x24: {  	[dreg:$0x1] =	wrdreg $0xFFFFFFFF  }
0x25: {  	[dreg:$0x0] =	wrdreg $0x60  }
0x26: {  	[dreg:$0x2] =	wrdreg s25  }
0x27: {  	[dreg:$0x3] =	wrdreg s2  }
0x28: {  	[dreg:$0x4] =	wrdreg $0x9  }
0x29: {  	_ =	task.clear_ibuf [dreg:s7], $0x5FFFF;
	_ =	strace $0x90000049  }
0x2a: {  	s29 =	simm.s32 $0x9;
	_ =	strace $0x8000004B  }
0x2b: {  	_ =	swait.ge [sflag:s29], $0x1  }
0x2c: {  	[sflag:s29] =	ssyncadd.s32 $0xFFFFFFFF  }
0x2d: {  	_ =	strace $0x9000004B  }
0x2e: {  	_ =	sfence  }
0x2f: {  	s30 =	sld [smem:$0x0];
	_ =	sdelay $0x2  }
0x30: {  	s31 =	sshll.u32 s1, $0xD;
	s1 =	sshrl.u32 s1, $0x2  }
0x31: {  	s3 =	sand.u32 $0x4000, s31;
	s1 =	sadd.s32 s1, s30  }
0x32: {  	s0 =	sor.u32 s3, s0;
	s1 =	sshll.u32 s1, $0x11  }
0x33: {  	s0 =	sor.u32 s1, s0  }
0x34: {  	s0 =	sadd.s32 $0x8F2B, s0  }
0x35: {  	[sflag:s0] =	ssyncadd.remote.s32 $0x1  }
0x36: {  	_ =	sfence.sel $0xFFFF  }
0x37: {  	[dreg:$0x0] =	wrdreg $0xFFFFFFFF;
	(pc) =	sbr.abs _section_cstart, $3  }
0x38: {  	[dreg:$0x1] =	wrdreg $0xFFFFFFFF  }
0x39: {  	_ =	task.clear_ibuf [dreg:s7], $0x2FFFF;
	_ =	strace $0x9FFFFFFF  }
0x3a: {  	(tm) =	ssettm $0x7FFFFFFF  }
0x3b: {  	_ =	shalt  }
tec
execute0_lowered:
.L_overlay_start_1:
0x0: {  	(tag) =	ssettag $0x1  }
0x1: {  	s5 =	rddreg [dreg:$0x0]  }
0x2: {  	s0 =	srdreg.scid;
	s3 =	rddreg [dreg:$0x1];
	s7 =	simm.s32 $0x1  }
0x3: {  	s8 =	simm.s32 $0x2;
	s15 =	simm.s32 $0x0;
	s1 =	sshll.u32 s0, $0x4  }
0x4: {  	s14 =	simm.s32 $0x0;
	s0 =	stileid.u32;
	s1 =	sand.u32 $0x10, s1  }
0x5: {  	s9 =	simm.s32 $0x0;
	s10 =	simm.s32 $0x0;
	s1 =	sor.u32 s0, s1  }
0x6: {  	s11 =	simm.s32 $0x0;
	s13 =	simm.s32 $0x0;
	s2 =	sshll.u32 s1, $0x7  }
0x7: {  	s5 =	sadd.s32 $0x800, s5;
	s1 =	rddreg [dreg:$0x2];
	s6 =	ssub.s32 $0xC8000, s2  }
.Ltmp0:
0x8: {  	_ =	strace $0x8000004A;
	s4 =	sand.u32 $0xF80, s6;
	(pc) =	sbr.rel .LBB1_1-.Ltmp0, $4  }
0x9: {  	s12 =	smov.u32 s2;
	p0 =	sne.s32 s4, $0x0;
	s4 =	simm.s32 $0x1  }
0xa: {  	s6 =	sshrl.u32 s6, $0xC;
	s7 =	simm.s32 @!p0 $0x0;
	[sflag:s4] =	ssyncpa.u1 $0x0  }
0xb: {  	p0 =	por $0x0, $0x0;
	s7 =	sadd.s32 s7, s6;
	[sflag:s8] =	ssyncpa.u1 $0x0  }
0xc: {  	s8 =	simm.s32 $0x640000;
	s6 =	sshll.u32 s7, $0x1;
	s7 =	sshllo.u32 s7, $0x1  }
.LBB1_4:
0xd: {  	s21 =	sshrl.u32 s9, $0x3;
	s22 =	sshll.u32 s10, $0x3  }
0xe: {  	s20 =	sshra.s32 s20, $0x2;
	s23 =	sshll.u32 s9, $0x7;
	s24 =	sand.u32 $0x7F, s10  }
0xf: {  	p1 =	sgt.s32 s9, $0x8;
	s28 =	sshra.s32 s9, $0x1F;
	s21 =	smul.u32 $0x640000, s21  }
0x10: {  	s29 =	sshra.s32 s10, $0x1F;
	s22 =	sand.u32 $0xFFFFFC00, s22;
	s25 =	sand.u32 $0x380, s23  }
0x11: {  	s19 =	sadd.s32 s20, s19;
	s26 =	sor.u32 s24, s25;
	s21 =	sadd.s32 s22, s21  }
0x12: {  	v5 =	vld [tilespmem:s17+$0xFFFFFFD0];
	s27 =	smulhi.u32 $0x51EB851F, s21;
	s20 =	sor.u32 s21, s26;
	s21 =	smov.u32 s9  }
0x13: {  	[tilespmem:s18+$0x2040 ss:$0x81] =	vst.msk $0xffff, v4;
	v58 =	vld [tilespmem:s17+$0xFFFFFFE0];
	s23 =	sand.u32 s28, s9;
	s24 =	sand.u32 s29, s10;
	s21 =	simm.s32 @!p1 $0x8  }
0x14: {  	[tilespmem:s18+$0x2850 ss:$0x81] =	vst.msk $0xffff, v3;
	p1 =	sgt.s32 s10, $0xC7F80;
	s30 =	smulhi.u32 $0x51EB851F, s20;
	s22 =	sshrl.u32 s27, $0x12  }
0x15: {  	v59 =	vld [tilespmem:s17+$0xFFFFFFF0];
	[tilespmem:s18+$0x3060 ss:$0x81] =	vst.msk $0xffff, v2;
	s21 =	ssub.s32 s21, s23;
	s23 =	smov.u32 s10;
	s25 =	smul.u32 $0x1E1F, s22  }
0x16: {  	v60 =	vld [tilespmem:s17+$0x0];
	[tilespmem:s18+$0x0 ss:$0x81] =	vst.msk $0xffff, v0;
	s23 =	simm.s32 @!p1 $0xC7F80;
	s31 =	sadd.s32 $0xFFFFFFF8, s21;
	s18 =	sshrl.u32 s30, $0x12  }
0x17: {  	v61 =	vld [tilespmem:s17+$0x10];
	[tilespmem:s19+$0x3870 ss:$0x81] =	vst.msk $0xffff, v1;
	s23 =	ssub.s32 s23, s24;
	s28 =	smul.u32 $0xC8000, s18;
	s25 =	sshrl.u32 s25, $0x14  }
0x18: {  	v62 =	vld [tilespmem:s17+$0x20];
	[tilespmem:s19+$0x810 ss:$0x81] =	vst.msk $0xffff, v5;
	p1 =	sgt.s32 s31, $0x7F;
	s26 =	sadd.s32 $0xFFF38080, s23;
	s27 =	smul.u32 $0x88, s25  }
0x19: {  	v63 =	vld [tilespmem:s17+$0xFFFFFFC0];
	[tilespmem:s19+$0x1020 ss:$0x81] =	vst.msk $0xffff, v58;
	s18 =	ssub.s32 $0x88, s21;
	s21 =	ssub.s32 $0xC8000, s23;
	p2 =	sgt.s32 s26, $0x7F  }
0x1a: {  	[tilespmem:s19+$0x1830 ss:$0x81] =	vst.msk $0xffff, v59;
	s18 =	simm.s32 @p1 $0x0;
	s21 =	simm.s32 @p2 $0x0;
	s22 =	ssub.s32 s22, s27  }
0x1b: {  	[tilespmem:s19+$0x2040 ss:$0x81] =	vst.msk $0xffff, v60;
	s17 =	ssub.s32 s20, s28;
	s18 =	smul.u32 s21, s18;
	s29 =	sand.u32 $0xFFFF, s22  }
0x1c: {  	[tilespmem:s19+$0x2850 ss:$0x81] =	vst.msk $0xffff, v61;
	s30 =	sshrl.u32 s17, $0x3;
	s17 =	sand.u32 $0x7, s17;
	s20 =	smul.u32 $0x19000, s29  }
0x1d: {  	[tilespmem:s19+$0x3060 ss:$0x81] =	vst.msk $0xffff, v62;
	s21 =	sadd.s32 s3, s30;
	s17 =	sshll.u32 s17, $0x12  }
0x1e: {  	[tilespmem:s19+$0x0 ss:$0x81] =	vst.msk $0xffff, v63;
	s17 =	sor.u32 $0x400, s17;
	s18 =	sand.u32 $0x3FFFFFFF, s18;
	s31 =	sadd.s32 s20, s21  }
0x1f: {  	[hbm4b:s31+s17] =	stream.strided.scatter [tilespmem:s16], [sflag:$0x2], s18, s8, s17, $0x20;
	[tilespmem:$0x10100] =	vst v63  }
.LBB1_5:
0x20: {  	p1 =	slt.u32 s13, $0x2  }
0x21: {  	s17 =	smov.u32 s15;
	p2 =	sgt.s32 @!p1 s15, $0x8;
	s16 =	sshra.s32 @!p1 s15, $0x1F  }
0x22: {  	p3 =	sgt.s32 @!p1 s14, $0xC7F80;
	s18 =	sshra.s32 @!p1 s14, $0x1F;
	p2 =	por !p2, p1  }
0x23: {  	s15 =	sand.u32 @!p1 s16, s15;
	p3 =	por !p3, p1;
	s16 =	smov.u32 s14  }
0x24: {  	s14 =	sand.u32 @!p1 s18, s14;
	s17 =	simm.s32 @p2 $0x8;
	s16 =	simm.s32 @p3 $0xC7F80  }
0x25: {  	s15 =	ssub.s32 @!p1 s17, s15;
	s14 =	ssub.s32 @!p1 s16, s14  }
0x26: {  	s18 =	smov.u32 s12;
	s16 =	sadd.s32 @!p1 $0xFFFFFFF8, s15;
	s17 =	sadd.s32 @!p1 $0xFFF38080, s14  }
0x27: {  	s15 =	ssub.s32 @!p1 $0x88, s15;
	p2 =	sgt.s32 @!p1 s16, $0x7F;
	p3 =	sgt.s32 @!p1 s17, $0x7F  }
0x28: {  	s14 =	ssub.s32 @!p1 $0xC8000, s14;
	p2 =	por !p2, p1;
	p3 =	por !p3, p1  }
0x29: {  	s16 =	sadd.s32 $0x80, s11;
	s15 =	simm.s32 @!p2 $0x0;
	s14 =	simm.s32 @!p3 $0x0  }
0x2a: {  	p2 =	sgt.s32 s16, $0x87;
	s14 =	smul.u32 @!p1 s14, s15;
	s15 =	sadd.s32 $0x1000, s12  }
0x2b: {  	s18 =	smov.u32 @p2 s15  }
0x2c: {  	s16 =	simm.s32 @p2 $0x0;
	p2 =	sgt.s32 s18, $0xC7FFF  }
0x2d: {  	s18 =	smov.u32 @p2 s2;
	p2 =	sne.s32 s13, s7  }
.Ltmp1:
0x2e: {  	p0 =	por !p0, !p0;
	s17 =	simm.s32 @!p1 $0x2;
	(pc) =	sbr.rel @!p2 .LBB1_6-.Ltmp1, $4  }
0x2f: {  	s15 =	smov.u32 s9;
	s9 =	smov.u32 s11;
	s14 =	sand.u32 @!p1 $0x3FFFFFFF, s14  }
0x30: {  	s11 =	smov.u32 s16;
	_ =	swait.ge @!p1 [sflag:s17], s14;
	s19 =	ssub.s32 @!p1 $0x0, s14  }
0x31: {  	s14 =	smov.u32 s10;
	s13 =	sadd.s32 $0x1, s13;
	[sflag:s17] =	ssyncset.done @!p1 $0x0  }
0x32: {  	s10 =	smov.u32 s12;
	s12 =	smov.u32 s18;
	[sflag:s17] =	ssyncadd.s32 @!p1 s19  }
.LBB1_1:
0x33: {  	p1 =	sge.u32 s13, s6  }
0x34: {  	s16 =	sshll.u32 @!p1 s12, $0x8;
	s17 =	sshll.u32 @!p1 s11, $0x3  }
0x35: {  	s18 =	sshll.u32 @!p1 s12, $0x7;
	s16 =	sand.u32 @!p1 $0xFFFFF800, s16;
	s17 =	sand.u32 @!p1 $0xFFFFFC00, s17  }
0x36: {  	s16 =	sadd.s32 @!p1 s16, s17;
	s17 =	sand.u32 @!p1 $0x300, s18  }
0x37: {  	s16 =	sor.u32 @!p1 s17, s16  }
0x38: {  	s16 =	sshrl.u32 @!p1 s16, $0x8  }
0x39: {  	s17 =	smulhi.u32 @!p1 $0x147AE15, s16;
	_ =	sdelay $0x1  }
0x3a: {  	s19 =	sxor.u32 @!p1 $0xFFFFFFFF, s13;
	s20 =	sand.u32 @!p1 $0x78, s11;
	s17 =	sshrl.u32 @!p1 s17, $0xC  }
0x3b: {  	s19 =	sshll.u32 @!p1 s19, $0xE;
	s18 =	sand.u32 @!p1 $0x80, s18;
	s17 =	smul.u32 @!p1 $0xC8000, s17  }
0x3c: {  	s31 =	sadd.s32 $0xFFFFFFFF, s13;
	s19 =	sand.u32 @!p1 $0x4000, s19;
	s18 =	sor.u32 @!p1 s20, s18  }
0x3d: {  	s16 =	ssub.s32 @!p1 s16, s17;
	s17 =	sshrl.u32 @!p1 s18, $0x3;
	s18 =	sand.u32 @!p1 $0x7, s11  }
0x3e: {  	s16 =	sshll.u32 @!p1 s16, $0x5;
	s17 =	sadd.s32 @!p1 s5, s17;
	s18 =	sshll.u32 @!p1 s18, $0x12  }
0x3f: {  	s16 =	sadd.s32 @!p1 s16, s17;
	s17 =	sor.u32 @!p1 $0x400, s18;
	s18 =	simm.s32 @!p1 $0x800  }
0x40: {  	[tilespmem:s19], [sflag:$0x1] =	stream.strided.gather @!p1 [hbm4b:s16+s17], $0x4000, s18, s17, $0x38;
	[tilespmem:$0x10100] =	vst v63  }
0x41: {  	p1 =	sge.u32 s31, s6  }
.Ltmp2:
0x42: {  	_ = 	snop;
	(pc) =	sbr.rel @p1 .LBB1_5-.Ltmp2, $1  }
0x43: {  	_ =	sdelay $0x3  }
0x44: {  	s16 =	simm.s32 $0x1  }
0x45: {  	_ =	swait.ge [sflag:s4], $0x4000;
	s16 =	simm.s32 @!p0 $0x0  }
0x46: {  	[sflag:s4] =	ssyncset.done $0x0;
	s17 =	sshll.u32 s16, $0xE  }
0x47: {  	[sflag:s4] =	ssyncadd.s32 $0xFFFFC000;
	s17 =	sor.u32 $0x40, s17  }
0x48: {  	s16 =	smul.u32 $0x10200, s16;
	v0 =	vld [tilespmem:s17+$0x30]  }
0x49: {  	v1 =	vld [tilespmem:s17+$0xFFFFFFD0]  }
0x4a: {  	s16 =	sshrl.u32 s16, $0x2;
	v5 =	vld [tilespmem:s17+$0xFFFFFFE0]  }
0x4b: {  	v6 =	vld [tilespmem:s17+$0xFFFFFFF0];
	s19 =	sor.u32 $0x8000, s16  }
0x4c: {  	s31 =	sand.u32 $0x1, s13;
	v4 =	vld [tilespmem:s17+$0x0];
	s18 =	sadd.s32 $0x0, s19  }
0x4d: {  	v3 =	vld [tilespmem:s17+$0x10];
	s16 =	smul.u32 $0x10200, s31;
	[tilespmem:s18+$0x3870 ss:$0x81] =	vst.msk $0xffff, v0  }
0x4e: {  	v2 =	vld [tilespmem:s17+$0x20];
	[tilespmem:s18+$0x810 ss:$0x81] =	vst.msk $0xffff, v1  }
0x4f: {  	s16 =	sshrl.u32 s16, $0x2;
	v0 =	vld [tilespmem:s17+$0xFFFFFFC0];
	[tilespmem:s18+$0x1020 ss:$0x81] =	vst.msk $0xffff, v5;
	s17 =	sadd.s32 $0x80, s17  }
0x50: {  	s20 =	simm.s32 $0x4;
	s21 =	simm.s32 $0x8;
	s16 =	sor.u32 $0x8000, s16;
	[tilespmem:s18+$0x1830 ss:$0x81] =	vst.msk $0xffff, v6;
	v1 =	vld [tilespmem:s17+$0x30]  }
.LBB1_3:
0x51: {  	p1 =	sne.s32 s21, $0x1FC;
	v5 =	vld [tilespmem:s17+$0xFFFFFFD0];
	[tilespmem:s18+$0x2040 ss:$0x81] =	vst.msk $0xffff, v4  }
0x52: {  	v6 =	vld [tilespmem:s17+$0xFFFFFFE0];
	[tilespmem:s18+$0x2850 ss:$0x81] =	vst.msk $0xffff, v3  }
0x53: {  	s22 =	sshra.s32 s20, $0x2;
	s20 =	smov.u32 s21;
	v7 =	vld [tilespmem:s17+$0xFFFFFFF0];
	[tilespmem:s18+$0x3060 ss:$0x81] =	vst.msk $0xffff, v2  }
.Ltmp3:
0x54: {  	v4 =	vld [tilespmem:s17+$0x0];
	[tilespmem:s18+$0x0 ss:$0x81] =	vst.msk $0xffff, v0;
	s18 =	sadd.s32 s22, s19;
	(pc) =	sbr.rel @p1 .LBB1_3-.Ltmp3, $4  }
0x55: {  	v3 =	vld [tilespmem:s17+$0x10];
	[tilespmem:s18+$0x3870 ss:$0x81] =	vst.msk $0xffff, v1  }
0x56: {  	[tilespmem:s18+$0x810 ss:$0x81] =	vst.msk $0xffff, v5;
	v2 =	vld [tilespmem:s17+$0x20]  }
0x57: {  	v0 =	vld [tilespmem:s17+$0xFFFFFFC0];
	[tilespmem:s18+$0x1020 ss:$0x81] =	vst.msk $0xffff, v6;
	s17 =	sadd.s32 $0x80, s17  }
0x58: {  	s21 =	sadd.s32 $0x4, s21;
	v1 =	vld [tilespmem:s17+$0x30];
	[tilespmem:s18+$0x1830 ss:$0x81] =	vst.msk $0xffff, v7  }
.Ltmp4:
0x59: {  	_ = 	snop;
	(pc) =	sbr.rel .LBB1_4-.Ltmp4, $1  }
0x5a: {  	_ =	sdelay $0x3  }
.LBB1_6:
0x5b: {  	_ =	sfence.sel $0x180000  }
0x5c: {  	s2 =	simm.s32 $0x1;
	[bflag:$0x0] =	sbarrier.arrive $0xFFFF  }
0x5d: {  	s31 =	simm.s32 $0x2;
	[sflag:s2] =	ssyncpa.u1 $0x1  }
0x5e: {  	[sflag:s31] =	ssyncpa.u1 $0x1  }
0x5f: {  	p0 =	sne.s32 s0, $0x0;
	_ =	strace $0x9000004A  }
0x60: {  	s0 =	sadd.s32 @!p0 $0x100000, s1;
	[bflag:$0x2] =	sbarrier.arrive $0xFFFF  }
0x61: {  	[sflag:s0] =	ssyncadd.tile.s32 @!p0 $0x1;
	_ =	shalt  }
.Lfunc_end1:
_tile_overlayer_lowered:
.L_overlay_start_2:
0x62: {  	(tag) =	ssettag $0x2  }
0x63: {  	s0 =	rddreg [dreg:$0x0];
	s2 =	stileid.u32  }
0x64: {  	s1 =	rddreg [dreg:$0x1];
	p0 =	sne.s32 s2, $0x0  }
0x65: {  	s3 =	rddreg [dreg:$0x2];
	[bflag:$0x3] =	sbarrier.arrive $0xFFFF;
	s2 =	simm.s32 @!p0 $0x1C01  }
0x66: {  	[timem:s3], [sflag:s2] =	dma.local @!p0 [hbm:s0], s1  }
0x67: {  	s0 =	simm.s32 @!p0 $0x1  }
0x68: {  	_ =	swait.ge @!p0 [sflag:s0], s1  }
0x69: {  	s1 =	ssub.s32 @!p0 $0x0, s1;
	[sflag:s0] =	ssyncset.done @!p0 $0x0  }
0x6a: {  	[sflag:s0] =	ssyncadd.s32 @!p0 s1  }
0x6b: {  	[bflag:$0x3] =	sbarrier.arrive $0xFFFF  }
0x6c: {  	_ =	shalt  }

</sc_bundles>
